<compile_context>
chip_gen: v7x
topology: tpu7x:2x2x1
jax: 0.10.2.dev20260603
libtpu: 0.0.44.dev20260713+nightly
codegen_flags: <defaults>
</compile_context>

<pallas_src>
import functools

import jax
import jax.numpy as jnp
from jax import lax
from jax.experimental import pallas as pl
from jax.experimental.pallas import tpu as pltpu
from jax.experimental.pallas import tpu_sc as plsc

D = 768
H = 12
HD = 64
FF = 2048
E = 8
T = 2048
EPS = 1e-8
LN_EPS = 1e-5

TQ = 256
TA = 256
BM = 256
NS = T * 2 + E * BM
NB = NS // BM
NW = 32
CHUNK = T // NW


def _ln(x, g, b):
    m = jnp.mean(x, axis=-1, keepdims=True)
    v = jnp.mean((x - m) ** 2, axis=-1, keepdims=True)
    return (x - m) * jax.lax.rsqrt(v + LN_EPS) * g + b



def _qkv_body(s_ref, w_ref, b_ref, o_ref):
    o = jnp.dot(s_ref[...], w_ref[...],
                preferred_element_type=jnp.float32) + b_ref[...]
    o_ref[...] = o.reshape(T, 4, HD).transpose(1, 0, 2).astype(jnp.bfloat16)


def _qkv(src2, w3, b3):
    BN = 256
    return pl.pallas_call(
        _qkv_body,
        grid=(3 * D // BN,),
        in_specs=[
            pl.BlockSpec((T, D), lambda n: (0, 0)),
            pl.BlockSpec((D, BN), lambda n: (0, n)),
            pl.BlockSpec((1, BN), lambda n: (0, n)),
        ],
        out_specs=pl.BlockSpec((4, T, HD), lambda n: (n, 0, 0)),
        out_shape=jax.ShapeDtypeStruct((3 * H, T, HD), jnp.bfloat16),
    )(src2, w3, b3)



def _attn_body(q_ref, k_ref, v_ref, fi_ref, fj_ref, ab_ref, o_ref,
               fac_ref, vx_ref):
    t = pl.program_id(0)
    h = pl.program_id(1)
    csc = (HD ** -0.5) * 1.4426950408889634

    @pl.when(h == 0)
    def _():
        s = jnp.sum(ab_ref[...]) * csc
        fi = fi_ref[...]
        fj = fj_ref[...]
        fac_ref[...] = (fj * s - fi * s) / (fi * fj + EPS)

    @pl.when(t == 0)
    def _():
        vx_ref[h, :, 0:HD] = v_ref[h]
        vx_ref[h, :, HD:2 * HD] = jnp.ones((T, HD), jnp.bfloat16)

    q = q_ref[0]
    k = k_ref[h]
    lg = lax.dot_general(q, k, (((1,), (1,)), ((), ())),
                         preferred_element_type=jnp.float32)
    lg = lg + fac_ref[...]
    m = jnp.max(lg, axis=1, keepdims=True)
    p = jnp.exp2(lg - m)
    ox = jnp.dot(p.astype(jnp.bfloat16), vx_ref[h],
                 preferred_element_type=jnp.float32)
    o_ref[0] = ox[:, 0:HD] / ox[:, HD:HD + 1]


def _attn(qkv, fr_col, fr_row, attn_bias):
    return pl.pallas_call(
        _attn_body,
        grid=(T // TA, H),
        in_specs=[
            pl.BlockSpec((1, TA, HD), lambda t, h: (h, t, 0)),
            pl.BlockSpec((H, T, HD), lambda t, h: (1, 0, 0)),
            pl.BlockSpec((H, T, HD), lambda t, h: (2, 0, 0)),
            pl.BlockSpec((TA, 1), lambda t, h: (t, 0)),
            pl.BlockSpec((1, T), lambda t, h: (0, 0)),
            pl.BlockSpec((1, HD), lambda t, h: (0, 0)),
        ],
        out_specs=pl.BlockSpec((1, TA, HD), lambda t, h: (h, t, 0)),
        out_shape=jax.ShapeDtypeStruct((H, T, HD), jnp.float32),
        scratch_shapes=[
            pltpu.VMEM((TA, T), jnp.float32),
            pltpu.VMEM((H, T, 2 * HD), jnp.bfloat16),
        ],
    )(qkv, qkv, qkv, fr_col, fr_row, attn_bias)



def _post_body(ao_ref, wo_ref, bo_ref, src_ref, g1_ref, be1_ref,
               gw_ref, gb_ref, x_ref, gl_ref):
    acc = jnp.dot(ao_ref[...], wo_ref[...], preferred_element_type=jnp.float32)
    x = _ln(src_ref[...] + acc + bo_ref[...], g1_ref[...], be1_ref[...])
    x_ref[...] = x
    gl_ref[...] = jnp.dot(x, gw_ref[...],
                          preferred_element_type=jnp.float32) + gb_ref[...]


def _post_attn(ao, wo, bo, src2, g1, be1, gw, gb):
    return pl.pallas_call(
        _post_body,
        grid=(T // TQ,),
        in_specs=[
            pl.BlockSpec((TQ, D), lambda t: (t, 0)),
            pl.BlockSpec((D, D), lambda t: (0, 0)),
            pl.BlockSpec((1, D), lambda t: (0, 0)),
            pl.BlockSpec((TQ, D), lambda t: (t, 0)),
            pl.BlockSpec((1, D), lambda t: (0, 0)),
            pl.BlockSpec((1, D), lambda t: (0, 0)),
            pl.BlockSpec((D, E), lambda t: (0, 0)),
            pl.BlockSpec((1, E), lambda t: (0, 0)),
        ],
        out_specs=[
            pl.BlockSpec((TQ, D), lambda t: (t, 0)),
            pl.BlockSpec((TQ, E), lambda t: (t, 0)),
        ],
        out_shape=[
            jax.ShapeDtypeStruct((T, D), jnp.float32),
            jax.ShapeDtypeStruct((T, E), jnp.float32),
        ],
    )(ao, wo, bo, src2, g1, be1, gw, gb)



def _route_body(gl_ref, d0_ref, d1_ref, w_ref, bexp_ref, nused_ref):
    gl = gl_ref[...]
    m = jnp.max(gl, axis=1, keepdims=True)
    p = jnp.exp(gl - m)
    g = p / jnp.sum(p, axis=1, keepdims=True)
    ioe = lax.broadcasted_iota(jnp.int32, (T, E), 1)
    m1 = jnp.max(g, axis=1, keepdims=True)
    a1 = jnp.min(jnp.where(g == m1, ioe, E), axis=1, keepdims=True)
    oh1 = (ioe == a1).astype(jnp.float32)
    gm = jnp.where(ioe == a1, -jnp.inf, g)
    m2 = jnp.max(gm, axis=1, keepdims=True)
    a2 = jnp.min(jnp.where(gm == m2, ioe, E), axis=1, keepdims=True)
    oh2 = (ioe == a2).astype(jnp.float32)
    w_ref[...] = jnp.concatenate([m1, m2], axis=1)

    c0 = oh1
    c1 = oh2
    k = 1
    while k < T:
        z = jnp.zeros((k, E), jnp.float32)
        c0 = c0 + jnp.concatenate([z, c0[:-k]], axis=0)
        c1 = c1 + jnp.concatenate([z, c1[:-k]], axis=0)
        k *= 2
    tot = jnp.sum(oh1 + oh2, axis=0, keepdims=True)
    pc = jnp.floor((tot + (BM - 1)) / BM)
    ci = pc
    for k in (1, 2, 4):
        ci = ci + jnp.concatenate(
            [jnp.zeros((1, k), jnp.float32), ci[:, :-k]], axis=1)
    bstart = ci - pc
    sstart = bstart * BM
    nb_used = jnp.sum(pc)

    before0 = (c0 - oh1) + (c1 - oh2)
    before1 = c0 + (c1 - oh2)
    d0 = jnp.sum(oh1 * (sstart + before0), axis=1, keepdims=True)
    d1 = jnp.sum(oh2 * (sstart + before1), axis=1, keepdims=True)
    d0_ref[...] = d0.astype(jnp.int32)
    d1_ref[...] = d1.astype(jnp.int32)

    bi = lax.broadcasted_iota(jnp.int32, (NB, E), 0).astype(jnp.float32)
    ind = jnp.logical_and(bi >= bstart, bi < bstart + pc).astype(jnp.float32)
    ev = lax.broadcasted_iota(jnp.int32, (NB, E), 1).astype(jnp.float32)
    eb = jnp.sum(ind * ev, axis=1, keepdims=True)
    last_e = jnp.max(eb)
    bi0 = lax.broadcasted_iota(jnp.int32, (NB, 1), 0).astype(jnp.float32)
    eb = jnp.where(bi0 < nb_used, eb, last_e)
    bexp_ref[...] = eb.astype(jnp.int32)
    nused_ref[...] = jnp.full((1, 1), nb_used, jnp.float32).astype(jnp.int32)


def _route(gl):
    return pl.pallas_call(
        _route_body,
        out_shape=[
            jax.ShapeDtypeStruct((T, 1), jnp.int32),
            jax.ShapeDtypeStruct((T, 1), jnp.int32),
            jax.ShapeDtypeStruct((T, 2), jnp.float32),
            jax.ShapeDtypeStruct((NB, 1), jnp.int32),
            jax.ShapeDtypeStruct((1, 1), jnp.int32),
        ],
    )(gl)



def _sc_scatter(x, d0, d1):
    mesh = plsc.VectorSubcoreMesh(core_axis_name="c", subcore_axis_name="s")

    @functools.partial(
        pl.kernel, mesh=mesh,
        out_type=jax.ShapeDtypeStruct((NS, D), jnp.float32),
        scratch_types=[
            pltpu.VMEM((CHUNK,), jnp.int32),
            pltpu.VMEM((CHUNK, D), jnp.float32),
            pltpu.SemaphoreType.DMA,
        ],
    )
    def k(x_hbm, d0_hbm, d1_hbm, out_hbm, idx_v, rows_v, sem):
        wid = lax.axis_index("s") * 2 + lax.axis_index("c")
        base = wid * CHUNK
        pltpu.sync_copy(x_hbm.at[pl.ds(base, CHUNK)], rows_v)
        pltpu.sync_copy(d0_hbm.at[pl.ds(base, CHUNK)], idx_v)
        pltpu.async_copy(rows_v, out_hbm.at[idx_v], sem).wait()
        pltpu.sync_copy(d1_hbm.at[pl.ds(base, CHUNK)], idx_v)
        pltpu.async_copy(rows_v, out_hbm.at[idx_v], sem).wait()

    return k(x, d0, d1)



def _ffn_body(be_ref, nu_ref, xs_ref, w1_ref, b1_ref, w2_ref, b2_ref, ys_ref):
    b = pl.program_id(0)

    @pl.when(b < nu_ref[0])
    def _():
        h = jnp.dot(xs_ref[...], w1_ref[0],
                    preferred_element_type=jnp.float32) + b1_ref[0]
        h = jnp.maximum(h, 0.0)
        ys_ref[...] = jnp.dot(h, w2_ref[0],
                              preferred_element_type=jnp.float32) + b2_ref[0]


def _ffn(bexp, nused, xs, w1, b1, w2, b2):
    grid_spec = pltpu.PrefetchScalarGridSpec(
        num_scalar_prefetch=2,
        grid=(NB,),
        in_specs=[
            pl.BlockSpec((BM, D),
                         lambda b, be, nu: (jnp.minimum(b, nu[0] - 1), 0)),
            pl.BlockSpec((1, D, FF), lambda b, be, nu: (be[b], 0, 0)),
            pl.BlockSpec((1, 1, FF), lambda b, be, nu: (be[b], 0, 0)),
            pl.BlockSpec((1, FF, D), lambda b, be, nu: (be[b], 0, 0)),
            pl.BlockSpec((1, 1, D), lambda b, be, nu: (be[b], 0, 0)),
        ],
        out_specs=pl.BlockSpec((BM, D),
                               lambda b, be, nu: (jnp.minimum(b, nu[0] - 1), 0)),
    )
    return pl.pallas_call(
        _ffn_body,
        grid_spec=grid_spec,
        out_shape=jax.ShapeDtypeStruct((NS, D), jnp.float32),
    )(bexp, nused, xs, w1, b1, w2, b2)



def _sc_gather(ys, d0, d1):
    mesh = plsc.VectorSubcoreMesh(core_axis_name="c", subcore_axis_name="s")

    @functools.partial(
        pl.kernel, mesh=mesh,
        out_type=(jax.ShapeDtypeStruct((T, D), jnp.float32),
                  jax.ShapeDtypeStruct((T, D), jnp.float32)),
        scratch_types=[
            pltpu.VMEM((CHUNK,), jnp.int32),
            pltpu.VMEM((CHUNK, D), jnp.float32),
            pltpu.SemaphoreType.DMA,
        ],
    )
    def k(ys_hbm, d0_hbm, d1_hbm, y0_hbm, y1_hbm, idx_v, rows_v, sem):
        wid = lax.axis_index("s") * 2 + lax.axis_index("c")
        base = wid * CHUNK
        pltpu.sync_copy(d0_hbm.at[pl.ds(base, CHUNK)], idx_v)
        pltpu.async_copy(ys_hbm.at[idx_v], rows_v, sem).wait()
        pltpu.sync_copy(rows_v, y0_hbm.at[pl.ds(base, CHUNK)])
        pltpu.sync_copy(d1_hbm.at[pl.ds(base, CHUNK)], idx_v)
        pltpu.async_copy(ys_hbm.at[idx_v], rows_v, sem).wait()
        pltpu.sync_copy(rows_v, y1_hbm.at[pl.ds(base, CHUNK)])

    return k(ys, d0, d1)



def _comb_body(x_ref, y0_ref, y1_ref, w_ref, g2_ref, be2_ref, o_ref):
    w = w_ref[...]
    ff = w[:, 0:1] * y0_ref[...] + w[:, 1:2] * y1_ref[...]
    o_ref[...] = _ln(x_ref[...] + ff, g2_ref[...], be2_ref[...])


def _combine(x, y0, y1, w, g2, be2):
    return pl.pallas_call(
        _comb_body,
        grid=(T // TQ,),
        in_specs=[
            pl.BlockSpec((TQ, D), lambda t: (t, 0)),
            pl.BlockSpec((TQ, D), lambda t: (t, 0)),
            pl.BlockSpec((TQ, D), lambda t: (t, 0)),
            pl.BlockSpec((TQ, 2), lambda t: (t, 0)),
            pl.BlockSpec((1, D), lambda t: (0, 0)),
            pl.BlockSpec((1, D), lambda t: (0, 0)),
        ],
        out_specs=pl.BlockSpec((TQ, D), lambda t: (t, 0)),
        out_shape=jax.ShapeDtypeStruct((T, D), jnp.float32),
    )(x, y0, y1, w, g2, be2)



def kernel(src, frac, Wq, bq, Wk, bk, Wv, bv, attn_bias, Wo, bo,
           gate_w, gate_b, W1, b1, W2, b2, g1, be1, g2, be2):
    src2 = src[0]
    fr = frac[0]
    csc = (HD ** -0.5) * 1.4426950408889634
    w3 = jnp.concatenate([Wq * csc, Wk, Wv], axis=1)
    b3 = jnp.concatenate([bq * csc, bk, bv]).reshape(1, 3 * D)

    qkv = _qkv(src2, w3, b3)
    ao = _attn(qkv, fr.reshape(T, 1), fr.reshape(1, T),
               attn_bias.reshape(1, HD))
    aot = ao.transpose(1, 0, 2).reshape(T, D)
    x, gl = _post_attn(aot, Wo, bo.reshape(1, D), src2,
                       g1.reshape(1, D), be1.reshape(1, D),
                       gate_w, gate_b.reshape(1, E))
    d0c, d1c, w2s, bexp, nused = _route(gl)
    d0 = d0c.reshape(T)
    d1 = d1c.reshape(T)
    xs = _sc_scatter(x, d0, d1)
    ys = _ffn(bexp.reshape(NB), nused.reshape(1), xs,
              W1, b1.reshape(E, 1, FF), W2, b2.reshape(E, 1, D))
    y0, y1 = _sc_gather(ys, d0, d1)
    y = _combine(x, y0, y1, w2s, g2.reshape(1, D), be2.reshape(1, D))
    return y.reshape(1, T, D)

# --- scband reference (transcript-rebuilt; emitter-appended) ---
"""Pipeline reference for scband-custom-transformer-encoder-mo-elayer-51032801411731 (READ-ONLY COPY).

The authoritative reference and input builder live on the scoring server;
editing this copy changes nothing except your own understanding.
"""

import jax, jax.numpy as jnp
import numpy as np

D = 768
H = 12
HD = D // H
FF = 2048
E = 8
EPS = 1e-8
LN_EPS = 1e-5


def layer_norm(x, g, b):
    m = jnp.mean(x, axis=-1, keepdims=True)
    v = jnp.mean((x - m) ** 2, axis=-1, keepdims=True)
    return (x - m) / jnp.sqrt(v + LN_EPS) * g + b


def setup_inputs(seed: int = 0) -> dict:
    key = jax.random.key(seed)
    ks = jax.random.split(key, 24)
    B, T = 1, 2048
    s = 0.02
    inp = {
        'src': jax.random.normal(ks[0], (B, T, D), dtype=jnp.float32),
        'frac': jax.random.uniform(ks[1], (B, T), dtype=jnp.float32),
        'Wq': jax.random.normal(ks[2], (D, D), dtype=jnp.float32) * s,
        'bq': jnp.zeros((D,), dtype=jnp.float32),
        'Wk': jax.random.normal(ks[3], (D, D), dtype=jnp.float32) * s,
        'bk': jnp.zeros((D,), dtype=jnp.float32),
        'Wv': jax.random.normal(ks[4], (D, D), dtype=jnp.float32) * s,
        'bv': jnp.zeros((D,), dtype=jnp.float32),
        'attn_bias': jax.random.normal(ks[5], (HD,), dtype=jnp.float32) * s,
        'Wo': jax.random.normal(ks[6], (D, D), dtype=jnp.float32) * s,
        'bo': jnp.zeros((D,), dtype=jnp.float32),
        'gate_w': jax.random.normal(ks[7], (D, E), dtype=jnp.float32) * s,
        'gate_b': jnp.zeros((E,), dtype=jnp.float32),
        'W1': jax.random.normal(ks[8], (E, D, FF), dtype=jnp.float32) * s,
        'b1': jnp.zeros((E, FF), dtype=jnp.float32),
        'W2': jax.random.normal(ks[9], (E, FF, D), dtype=jnp.float32) * s,
        'b2': jnp.zeros((E, D), dtype=jnp.float32),
        'g1': jnp.ones((D,), dtype=jnp.float32),
        'be1': jnp.zeros((D,), dtype=jnp.float32),
        'g2': jnp.ones((D,), dtype=jnp.float32),
        'be2': jnp.zeros((D,), dtype=jnp.float32),
    }
    return inp


def reference(src, frac, Wq, bq, Wk, bk, Wv, bv, attn_bias, Wo, bo,
              gate_w, gate_b, W1, b1, W2, b2, g1, be1, g2, be2):
    B, T, _ = src.shape
    # ----- custom multi-head attention (eval mode, dropout = identity) -----
    Q = (src @ Wq + bq).reshape(B, T, H, HD).transpose(0, 2, 1, 3)
    K = (src @ Wk + bk).reshape(B, T, H, HD).transpose(0, 2, 1, 3)
    V = (src @ Wv + bv).reshape(B, T, H, HD).transpose(0, 2, 1, 3)
    frac_i = frac[:, :, None]
    frac_j = frac[:, None, :]
    factor_ij = (frac_j - frac_i) / (frac_i * frac_j + EPS)  # [B,T,T]
    # sum_d (Q_i*K_j + bias*factor)_d == Q@K^T + factor * sum(bias)  (exact identity)
    attn_logits = jnp.einsum('bhid,bhjd->bhij', Q, K) + attn_bias.sum() * factor_ij[:, None, :, :]
    attn_logits = attn_logits * (HD ** -0.5)
    attn_probs = jax.nn.softmax(attn_logits, axis=-1)
    out = jnp.einsum('bhij,bhjd->bhid', attn_probs, V)
    out = out.transpose(0, 2, 1, 3).reshape(B, T, D)
    attn_out = out @ Wo + bo
    x = layer_norm(src + attn_out, g1, be1)
    # ----- MoE feed-forward with top-2 gating (eval: no gating noise) -----
    gating_scores = jax.nn.softmax(x @ gate_w + gate_b, axis=-1)  # [B,T,E]
    top2_scores, top2_experts = jax.lax.top_k(gating_scores, 2)
    h = jnp.einsum('btd,edf->betf', x, W1) + b1[None, :, None, :]
    h = jax.nn.relu(h)
    expert_out = jnp.einsum('betf,efd->betd', h, W2) + b2[None, :, None, :]
    expert_out = expert_out.transpose(0, 2, 1, 3)  # [B,T,E,D]
    ff = jnp.zeros_like(x)
    for r in range(2):
        sel = top2_experts[..., r][..., None, None]  # [B,T,1,1]
        pick = jnp.take_along_axis(expert_out, sel, axis=2)[:, :, 0, :]
        ff = ff + top2_scores[..., r][..., None] * pick
    y = layer_norm(x + ff, g2, be2)
    return y

if __name__ == "__main__":
    import jax
    _d = setup_inputs()
    print(jax.jit(kernel)(*tuple(_d.values())))

</pallas_src>

<mosaic_0001>
#map = affine_map<(d0, d1) -> (0, 0)>
#map1 = affine_map<(d0, d1) -> (0)>
module attributes {stable_mosaic.version = 14 : i64} {
  func.func @k(%arg0: i32, %arg1: i32, %arg2: memref<6144x768xf32, #tpu.memory_space<hbm>>, %arg3: memref<2048xi32, #tpu.memory_space<hbm>>, %arg4: memref<2048xi32, #tpu.memory_space<hbm>>, %arg5: memref<2048x768xf32, #tpu.memory_space<hbm>>, %arg6: memref<2048x768xf32, #tpu.memory_space<hbm>>, %arg7: memref<64xi32, #tpu.memory_space<vmem>>, %arg8: memref<64x768xf32, #tpu.memory_space<vmem>>, %arg9: memref<!tpu.dma_semaphore, #tpu.memory_space<semaphore_mem>>) attributes {dimension_semantics = [#tpu.dimension_semantics<core_parallel>, #tpu.dimension_semantics<subcore_parallel>], iteration_bounds = array<i64: 2, 16>, scalar_prefetch = 0 : i64, scratch_operands = 3 : i64, tpu.core_type = #tpu.core_type<sc_vector_subcore>, window_params = [{transform_indices = #map}, {transform_indices = #map1}, {transform_indices = #map1}, {transform_indices = #map}, {transform_indices = #map}]} {
    %mul3A = arith.constant 2 : i32
    %mul3A_0 = arith.muli %arg1, %mul3A : i32
    %add3A = arith.addi %mul3A_0, %arg0 : i32
    %mul3A_1 = arith.constant 64 : i32
    %mul3A_2 = arith.muli %add3A, %mul3A_1 : i32
    "tpu.region"() ({
      %run_scoped3A = tpu.sem_alloc : memref<!tpu.dma_semaphore, #tpu.memory_space<semaphore_mem>>
      %dma_start3A_13 = tpu.memref_slice %arg3[%mul3A_2] : memref<2048xi32, #tpu.memory_space<hbm>> -> memref<64xi32, #tpu.memory_space<hbm>>
      %dma_start3A_14 = tpu.memref_slice %arg3[%mul3A_2] : memref<2048xi32, #tpu.memory_space<hbm>> -> memref<64xi32, #tpu.memory_space<hbm>>
      tpu.enqueue_dma source(%dma_start3A_14 : memref<64xi32, #tpu.memory_space<hbm>>) target(%arg7 : memref<64xi32, #tpu.memory_space<vmem>>) target_semaphore(%run_scoped3A : memref<!tpu.dma_semaphore, #tpu.memory_space<semaphore_mem>>)
      %dma_wait3A_15 = tpu.memref_slice %arg3[%mul3A_2] : memref<2048xi32, #tpu.memory_space<hbm>> -> memref<64xi32, #tpu.memory_space<hbm>>
      %dma_wait3A_16 = tpu.memref_slice %arg3[%mul3A_2] : memref<2048xi32, #tpu.memory_space<hbm>> -> memref<64xi32, #tpu.memory_space<hbm>>
      tpu.wait_dma2 semaphore(%run_scoped3A : memref<!tpu.dma_semaphore, #tpu.memory_space<semaphore_mem>>) src(%dma_wait3A_16 : memref<64xi32, #tpu.memory_space<hbm>>) dst(%arg7 : memref<64xi32, #tpu.memory_space<vmem>>)
      tpu.yield
    }) : () -> ()
    %dma_start3A = arith.constant 0 : i32
    %dma_start3A_3 = arith.constant 0 : i32
    %dma_start3A_4 = tpu.memref_slice %arg2[%dma_start3A, %dma_start3A_3] : memref<6144x768xf32, #tpu.memory_space<hbm>> -> memref<6144x768xf32, #tpu.memory_space<hbm>>
    tpu.enqueue_indirect_dma source(%dma_start3A_4 : memref<6144x768xf32, #tpu.memory_space<hbm>>) target(%arg8 : memref<64x768xf32, #tpu.memory_space<vmem>>) offsets(%arg7 : memref<64xi32, #tpu.memory_space<vmem>>) semaphore(%arg9 : memref<!tpu.dma_semaphore, #tpu.memory_space<semaphore_mem>>)
    %dma_wait3A = arith.constant 0 : i32
    %dma_wait3A_5 = arith.constant 0 : i32
    %dma_wait3A_6 = tpu.memref_slice %arg2[%dma_wait3A, %dma_wait3A_5] : memref<6144x768xf32, #tpu.memory_space<hbm>> -> memref<6144x768xf32, #tpu.memory_space<hbm>>
    tpu.wait_indirect_dma semaphore(%arg9 : memref<!tpu.dma_semaphore, #tpu.memory_space<semaphore_mem>>) src(%dma_wait3A_6 : memref<6144x768xf32, #tpu.memory_space<hbm>>) dst(%arg8 : memref<64x768xf32, #tpu.memory_space<vmem>>)
    "tpu.region"() ({
      %run_scoped3A = tpu.sem_alloc : memref<!tpu.dma_semaphore, #tpu.memory_space<semaphore_mem>>
      %dma_start3A_13 = arith.constant 0 : i32
      %dma_start3A_14 = tpu.memref_slice %arg5[%mul3A_2, %dma_start3A_13] : memref<2048x768xf32, #tpu.memory_space<hbm>> -> memref<64x768xf32, #tpu.memory_space<hbm>>
      %dma_start3A_15 = arith.constant 0 : i32
      %dma_start3A_16 = tpu.memref_slice %arg5[%mul3A_2, %dma_start3A_15] : memref<2048x768xf32, #tpu.memory_space<hbm>> -> memref<64x768xf32, #tpu.memory_space<hbm>>
      tpu.enqueue_dma source(%arg8 : memref<64x768xf32, #tpu.memory_space<vmem>>) target(%dma_start3A_16 : memref<64x768xf32, #tpu.memory_space<hbm>>) target_semaphore(%run_scoped3A : memref<!tpu.dma_semaphore, #tpu.memory_space<semaphore_mem>>)
      %dma_wait3A_17 = arith.constant 0 : i32
      %dma_wait3A_18 = tpu.memref_slice %arg5[%mul3A_2, %dma_wait3A_17] : memref<2048x768xf32, #tpu.memory_space<hbm>> -> memref<64x768xf32, #tpu.memory_space<hbm>>
      %dma_wait3A_19 = arith.constant 0 : i32
      %dma_wait3A_20 = tpu.memref_slice %arg5[%mul3A_2, %dma_wait3A_19] : memref<2048x768xf32, #tpu.memory_space<hbm>> -> memref<64x768xf32, #tpu.memory_space<hbm>>
      tpu.wait_dma2 semaphore(%run_scoped3A : memref<!tpu.dma_semaphore, #tpu.memory_space<semaphore_mem>>) src(%arg8 : memref<64x768xf32, #tpu.memory_space<vmem>>) dst(%dma_wait3A_20 : memref<64x768xf32, #tpu.memory_space<hbm>>)
      tpu.yield
    }) : () -> ()
    "tpu.region"() ({
      %run_scoped3A = tpu.sem_alloc : memref<!tpu.dma_semaphore, #tpu.memory_space<semaphore_mem>>
      %dma_start3A_13 = tpu.memref_slice %arg4[%mul3A_2] : memref<2048xi32, #tpu.memory_space<hbm>> -> memref<64xi32, #tpu.memory_space<hbm>>
      %dma_start3A_14 = tpu.memref_slice %arg4[%mul3A_2] : memref<2048xi32, #tpu.memory_space<hbm>> -> memref<64xi32, #tpu.memory_space<hbm>>
      tpu.enqueue_dma source(%dma_start3A_14 : memref<64xi32, #tpu.memory_space<hbm>>) target(%arg7 : memref<64xi32, #tpu.memory_space<vmem>>) target_semaphore(%run_scoped3A : memref<!tpu.dma_semaphore, #tpu.memory_space<semaphore_mem>>)
      %dma_wait3A_15 = tpu.memref_slice %arg4[%mul3A_2] : memref<2048xi32, #tpu.memory_space<hbm>> -> memref<64xi32, #tpu.memory_space<hbm>>
      %dma_wait3A_16 = tpu.memref_slice %arg4[%mul3A_2] : memref<2048xi32, #tpu.memory_space<hbm>> -> memref<64xi32, #tpu.memory_space<hbm>>
      tpu.wait_dma2 semaphore(%run_scoped3A : memref<!tpu.dma_semaphore, #tpu.memory_space<semaphore_mem>>) src(%dma_wait3A_16 : memref<64xi32, #tpu.memory_space<hbm>>) dst(%arg7 : memref<64xi32, #tpu.memory_space<vmem>>)
      tpu.yield
    }) : () -> ()
    %dma_start3A_7 = arith.constant 0 : i32
    %dma_start3A_8 = arith.constant 0 : i32
    %dma_start3A_9 = tpu.memref_slice %arg2[%dma_start3A_7, %dma_start3A_8] : memref<6144x768xf32, #tpu.memory_space<hbm>> -> memref<6144x768xf32, #tpu.memory_space<hbm>>
    tpu.enqueue_indirect_dma source(%dma_start3A_9 : memref<6144x768xf32, #tpu.memory_space<hbm>>) target(%arg8 : memref<64x768xf32, #tpu.memory_space<vmem>>) offsets(%arg7 : memref<64xi32, #tpu.memory_space<vmem>>) semaphore(%arg9 : memref<!tpu.dma_semaphore, #tpu.memory_space<semaphore_mem>>)
    %dma_wait3A_10 = arith.constant 0 : i32
    %dma_wait3A_11 = arith.constant 0 : i32
    %dma_wait3A_12 = tpu.memref_slice %arg2[%dma_wait3A_10, %dma_wait3A_11] : memref<6144x768xf32, #tpu.memory_space<hbm>> -> memref<6144x768xf32, #tpu.memory_space<hbm>>
    tpu.wait_indirect_dma semaphore(%arg9 : memref<!tpu.dma_semaphore, #tpu.memory_space<semaphore_mem>>) src(%dma_wait3A_12 : memref<6144x768xf32, #tpu.memory_space<hbm>>) dst(%arg8 : memref<64x768xf32, #tpu.memory_space<vmem>>)
    "tpu.region"() ({
      %run_scoped3A = tpu.sem_alloc : memref<!tpu.dma_semaphore, #tpu.memory_space<semaphore_mem>>
      %dma_start3A_13 = arith.constant 0 : i32
      %dma_start3A_14 = tpu.memref_slice %arg6[%mul3A_2, %dma_start3A_13] : memref<2048x768xf32, #tpu.memory_space<hbm>> -> memref<64x768xf32, #tpu.memory_space<hbm>>
      %dma_start3A_15 = arith.constant 0 : i32
      %dma_start3A_16 = tpu.memref_slice %arg6[%mul3A_2, %dma_start3A_15] : memref<2048x768xf32, #tpu.memory_space<hbm>> -> memref<64x768xf32, #tpu.memory_space<hbm>>
      tpu.enqueue_dma source(%arg8 : memref<64x768xf32, #tpu.memory_space<vmem>>) target(%dma_start3A_16 : memref<64x768xf32, #tpu.memory_space<hbm>>) target_semaphore(%run_scoped3A : memref<!tpu.dma_semaphore, #tpu.memory_space<semaphore_mem>>)
      %dma_wait3A_17 = arith.constant 0 : i32
      %dma_wait3A_18 = tpu.memref_slice %arg6[%mul3A_2, %dma_wait3A_17] : memref<2048x768xf32, #tpu.memory_space<hbm>> -> memref<64x768xf32, #tpu.memory_space<hbm>>
      %dma_wait3A_19 = arith.constant 0 : i32
      %dma_wait3A_20 = tpu.memref_slice %arg6[%mul3A_2, %dma_wait3A_19] : memref<2048x768xf32, #tpu.memory_space<hbm>> -> memref<64x768xf32, #tpu.memory_space<hbm>>
      tpu.wait_dma2 semaphore(%run_scoped3A : memref<!tpu.dma_semaphore, #tpu.memory_space<semaphore_mem>>) src(%arg8 : memref<64x768xf32, #tpu.memory_space<vmem>>) dst(%dma_wait3A_20 : memref<64x768xf32, #tpu.memory_space<hbm>>)
      tpu.yield
    }) : () -> ()
    return
  }
}

#map = affine_map<(d0, d1) -> (0, 0)>
#map1 = affine_map<(d0, d1) -> (0)>
module attributes {stable_mosaic.version = 14 : i64} {
  func.func @k(%arg0: i32, %arg1: i32, %arg2: memref<2048x768xf32, #tpu.memory_space<hbm>>, %arg3: memref<2048xi32, #tpu.memory_space<hbm>>, %arg4: memref<2048xi32, #tpu.memory_space<hbm>>, %arg5: memref<6144x768xf32, #tpu.memory_space<hbm>>, %arg6: memref<64xi32, #tpu.memory_space<vmem>>, %arg7: memref<64x768xf32, #tpu.memory_space<vmem>>, %arg8: memref<!tpu.dma_semaphore, #tpu.memory_space<semaphore_mem>>) attributes {dimension_semantics = [#tpu.dimension_semantics<core_parallel>, #tpu.dimension_semantics<subcore_parallel>], iteration_bounds = array<i64: 2, 16>, scalar_prefetch = 0 : i64, scratch_operands = 3 : i64, tpu.core_type = #tpu.core_type<sc_vector_subcore>, window_params = [{transform_indices = #map}, {transform_indices = #map1}, {transform_indices = #map1}, {transform_indices = #map}]} {
    %mul3A = arith.constant 2 : i32
    %mul3A_0 = arith.muli %arg1, %mul3A : i32
    %add3A = arith.addi %mul3A_0, %arg0 : i32
    %mul3A_1 = arith.constant 64 : i32
    %mul3A_2 = arith.muli %add3A, %mul3A_1 : i32
    "tpu.region"() ({
      %run_scoped3A = tpu.sem_alloc : memref<!tpu.dma_semaphore, #tpu.memory_space<semaphore_mem>>
      %dma_start3A_13 = arith.constant 0 : i32
      %dma_start3A_14 = tpu.memref_slice %arg2[%mul3A_2, %dma_start3A_13] : memref<2048x768xf32, #tpu.memory_space<hbm>> -> memref<64x768xf32, #tpu.memory_space<hbm>>
      %dma_start3A_15 = arith.constant 0 : i32
      %dma_start3A_16 = tpu.memref_slice %arg2[%mul3A_2, %dma_start3A_15] : memref<2048x768xf32, #tpu.memory_space<hbm>> -> memref<64x768xf32, #tpu.memory_space<hbm>>
      tpu.enqueue_dma source(%dma_start3A_16 : memref<64x768xf32, #tpu.memory_space<hbm>>) target(%arg7 : memref<64x768xf32, #tpu.memory_space<vmem>>) target_semaphore(%run_scoped3A : memref<!tpu.dma_semaphore, #tpu.memory_space<semaphore_mem>>)
      %dma_wait3A_17 = arith.constant 0 : i32
      %dma_wait3A_18 = tpu.memref_slice %arg2[%mul3A_2, %dma_wait3A_17] : memref<2048x768xf32, #tpu.memory_space<hbm>> -> memref<64x768xf32, #tpu.memory_space<hbm>>
      %dma_wait3A_19 = arith.constant 0 : i32
      %dma_wait3A_20 = tpu.memref_slice %arg2[%mul3A_2, %dma_wait3A_19] : memref<2048x768xf32, #tpu.memory_space<hbm>> -> memref<64x768xf32, #tpu.memory_space<hbm>>
      tpu.wait_dma2 semaphore(%run_scoped3A : memref<!tpu.dma_semaphore, #tpu.memory_space<semaphore_mem>>) src(%dma_wait3A_20 : memref<64x768xf32, #tpu.memory_space<hbm>>) dst(%arg7 : memref<64x768xf32, #tpu.memory_space<vmem>>)
      tpu.yield
    }) : () -> ()
    "tpu.region"() ({
      %run_scoped3A = tpu.sem_alloc : memref<!tpu.dma_semaphore, #tpu.memory_space<semaphore_mem>>
      %dma_start3A_13 = tpu.memref_slice %arg3[%mul3A_2] : memref<2048xi32, #tpu.memory_space<hbm>> -> memref<64xi32, #tpu.memory_space<hbm>>
      %dma_start3A_14 = tpu.memref_slice %arg3[%mul3A_2] : memref<2048xi32, #tpu.memory_space<hbm>> -> memref<64xi32, #tpu.memory_space<hbm>>
      tpu.enqueue_dma source(%dma_start3A_14 : memref<64xi32, #tpu.memory_space<hbm>>) target(%arg6 : memref<64xi32, #tpu.memory_space<vmem>>) target_semaphore(%run_scoped3A : memref<!tpu.dma_semaphore, #tpu.memory_space<semaphore_mem>>)
      %dma_wait3A_15 = tpu.memref_slice %arg3[%mul3A_2] : memref<2048xi32, #tpu.memory_space<hbm>> -> memref<64xi32, #tpu.memory_space<hbm>>
      %dma_wait3A_16 = tpu.memref_slice %arg3[%mul3A_2] : memref<2048xi32, #tpu.memory_space<hbm>> -> memref<64xi32, #tpu.memory_space<hbm>>
      tpu.wait_dma2 semaphore(%run_scoped3A : memref<!tpu.dma_semaphore, #tpu.memory_space<semaphore_mem>>) src(%dma_wait3A_16 : memref<64xi32, #tpu.memory_space<hbm>>) dst(%arg6 : memref<64xi32, #tpu.memory_space<vmem>>)
      tpu.yield
    }) : () -> ()
    %dma_start3A = arith.constant 0 : i32
    %dma_start3A_3 = arith.constant 0 : i32
    %dma_start3A_4 = tpu.memref_slice %arg5[%dma_start3A, %dma_start3A_3] : memref<6144x768xf32, #tpu.memory_space<hbm>> -> memref<6144x768xf32, #tpu.memory_space<hbm>>
    tpu.enqueue_indirect_dma source(%arg7 : memref<64x768xf32, #tpu.memory_space<vmem>>) target(%dma_start3A_4 : memref<6144x768xf32, #tpu.memory_space<hbm>>) offsets(%arg6 : memref<64xi32, #tpu.memory_space<vmem>>) semaphore(%arg8 : memref<!tpu.dma_semaphore, #tpu.memory_space<semaphore_mem>>)
    %dma_wait3A = arith.constant 0 : i32
    %dma_wait3A_5 = arith.constant 0 : i32
    %dma_wait3A_6 = tpu.memref_slice %arg5[%dma_wait3A, %dma_wait3A_5] : memref<6144x768xf32, #tpu.memory_space<hbm>> -> memref<6144x768xf32, #tpu.memory_space<hbm>>
    tpu.wait_indirect_dma semaphore(%arg8 : memref<!tpu.dma_semaphore, #tpu.memory_space<semaphore_mem>>) src(%arg7 : memref<64x768xf32, #tpu.memory_space<vmem>>) dst(%dma_wait3A_6 : memref<6144x768xf32, #tpu.memory_space<hbm>>)
    "tpu.region"() ({
      %run_scoped3A = tpu.sem_alloc : memref<!tpu.dma_semaphore, #tpu.memory_space<semaphore_mem>>
      %dma_start3A_13 = tpu.memref_slice %arg4[%mul3A_2] : memref<2048xi32, #tpu.memory_space<hbm>> -> memref<64xi32, #tpu.memory_space<hbm>>
      %dma_start3A_14 = tpu.memref_slice %arg4[%mul3A_2] : memref<2048xi32, #tpu.memory_space<hbm>> -> memref<64xi32, #tpu.memory_space<hbm>>
      tpu.enqueue_dma source(%dma_start3A_14 : memref<64xi32, #tpu.memory_space<hbm>>) target(%arg6 : memref<64xi32, #tpu.memory_space<vmem>>) target_semaphore(%run_scoped3A : memref<!tpu.dma_semaphore, #tpu.memory_space<semaphore_mem>>)
      %dma_wait3A_15 = tpu.memref_slice %arg4[%mul3A_2] : memref<2048xi32, #tpu.memory_space<hbm>> -> memref<64xi32, #tpu.memory_space<hbm>>
      %dma_wait3A_16 = tpu.memref_slice %arg4[%mul3A_2] : memref<2048xi32, #tpu.memory_space<hbm>> -> memref<64xi32, #tpu.memory_space<hbm>>
      tpu.wait_dma2 semaphore(%run_scoped3A : memref<!tpu.dma_semaphore, #tpu.memory_space<semaphore_mem>>) src(%dma_wait3A_16 : memref<64xi32, #tpu.memory_space<hbm>>) dst(%arg6 : memref<64xi32, #tpu.memory_space<vmem>>)
      tpu.yield
    }) : () -> ()
    %dma_start3A_7 = arith.constant 0 : i32
    %dma_start3A_8 = arith.constant 0 : i32
    %dma_start3A_9 = tpu.memref_slice %arg5[%dma_start3A_7, %dma_start3A_8] : memref<6144x768xf32, #tpu.memory_space<hbm>> -> memref<6144x768xf32, #tpu.memory_space<hbm>>
    tpu.enqueue_indirect_dma source(%arg7 : memref<64x768xf32, #tpu.memory_space<vmem>>) target(%dma_start3A_9 : memref<6144x768xf32, #tpu.memory_space<hbm>>) offsets(%arg6 : memref<64xi32, #tpu.memory_space<vmem>>) semaphore(%arg8 : memref<!tpu.dma_semaphore, #tpu.memory_space<semaphore_mem>>)
    %dma_wait3A_10 = arith.constant 0 : i32
    %dma_wait3A_11 = arith.constant 0 : i32
    %dma_wait3A_12 = tpu.memref_slice %arg5[%dma_wait3A_10, %dma_wait3A_11] : memref<6144x768xf32, #tpu.memory_space<hbm>> -> memref<6144x768xf32, #tpu.memory_space<hbm>>
    tpu.wait_indirect_dma semaphore(%arg8 : memref<!tpu.dma_semaphore, #tpu.memory_space<semaphore_mem>>) src(%arg7 : memref<64x768xf32, #tpu.memory_space<vmem>>) dst(%dma_wait3A_12 : memref<6144x768xf32, #tpu.memory_space<hbm>>)
    return
  }
}

module attributes {stable_mosaic.version = 14 : i64} {
  func.func @_attn_body(%arg0: i32, %arg1: i32, %arg2: memref<1x256x64xbf16, #tpu.memory_space<vmem>>, %arg3: memref<12x2048x64xbf16, #tpu.memory_space<vmem>>, %arg4: memref<12x2048x64xbf16, #tpu.memory_space<vmem>>, %arg5: memref<256x1xf32, #tpu.memory_space<vmem>>, %arg6: memref<1x2048xf32, #tpu.memory_space<vmem>>, %arg7: memref<1x64xf32, #tpu.memory_space<vmem>>, %arg8: memref<1x256x64xf32, #tpu.memory_space<vmem>>, %arg9: memref<256x2048xf32, #tpu.memory_space<vmem>>, %arg10: memref<12x2048x128xbf16, #tpu.memory_space<vmem>>) attributes {dimension_semantics = [#tpu.dimension_semantics<arbitrary>, #tpu.dimension_semantics<arbitrary>], iteration_bounds = array<i64: 8, 12>, scalar_prefetch = 0 : i64, scratch_operands = 2 : i64, tpu.core_type = #tpu.core_type<tc>, window_params = [{transform_indices = @transform_0, window_bounds = array<i64: 1, 256, 64>}, {transform_indices = @transform_1, window_bounds = array<i64: 12, 2048, 64>}, {transform_indices = @transform_2, window_bounds = array<i64: 12, 2048, 64>}, {transform_indices = @transform_3, window_bounds = array<i64: 256, 1>}, {pipeline_mode = #tpu.pipeline_mode<synchronous>, transform_indices = @transform_4, window_bounds = array<i64: 1, 2048>}, {pipeline_mode = #tpu.pipeline_mode<synchronous>, transform_indices = @transform_5, window_bounds = array<i64: 1, 64>}, {transform_indices = @transform_6, window_bounds = array<i64: 1, 256, 64>}]} {
    %eq3A = arith.constant 0 : i32
    %eq3A_0 = arith.cmpi eq, %arg1, %eq3A : i32
    %convert_element_type3A = arith.extui %eq3A_0 : i1 to i32
    %cond3A = arith.constant 0 : i32
    %cond3A_1 = arith.cmpi ne, %convert_element_type3A, %cond3A : i32
    scf.if %cond3A_1 {
      %get3A_37 = arith.constant 0 : index
      %get3A_38 = arith.constant 0 : index
      %get3A_39 = vector.load %arg7[%get3A_37, %get3A_38] : memref<1x64xf32, #tpu.memory_space<vmem>>, vector<1x64xf32>
      %reduce_sum3A = vector.shape_cast %get3A_39 : vector<1x64xf32> to vector<1x1x64xf32>
      %reduce_sum3A_40 = arith.constant dense<0.000000e+00> : vector<1xf32>
      %reduce_sum3A_41 = vector.multi_reduction <add>, %reduce_sum3A, %reduce_sum3A_40 [1, 2] : vector<1x1x64xf32> to vector<1xf32>
      %reduce_sum3A_42 = vector.shape_cast %reduce_sum3A_41 : vector<1xf32> to vector<1x1x1xf32>
      %reduce_sum3A_43 = vector.extract %reduce_sum3A_42[0, 0, 0] : f32 from vector<1x1x1xf32>
      %mul3A = arith.constant 0.180336878 : f32
      %mul3A_44 = arith.mulf %reduce_sum3A_43, %mul3A : f32
      %get3A_45 = arith.constant 0 : index
      %get3A_46 = arith.constant 0 : index
      %get3A_47 = vector.load %arg5[%get3A_45, %get3A_46] : memref<256x1xf32, #tpu.memory_space<vmem>>, vector<256x1xf32>
      %get3A_48 = arith.constant 0 : index
      %get3A_49 = arith.constant 0 : index
      %get3A_50 = vector.load %arg6[%get3A_48, %get3A_49] : memref<1x2048xf32, #tpu.memory_space<vmem>>, vector<1x2048xf32>
      %mul3A_51 = vector.broadcast %mul3A_44 : f32 to vector<1x2048xf32>
      %mul3A_52 = arith.mulf %get3A_50, %mul3A_51 : vector<1x2048xf32>
      %mul3A_53 = vector.broadcast %mul3A_44 : f32 to vector<256x1xf32>
      %mul3A_54 = arith.mulf %get3A_47, %mul3A_53 : vector<256x1xf32>
      %sub3A_55 = vector.broadcast %mul3A_52 : vector<1x2048xf32> to vector<256x2048xf32>
      %sub3A_56 = vector.broadcast %mul3A_54 : vector<256x1xf32> to vector<256x2048xf32>
      %sub3A_57 = arith.subf %sub3A_55, %sub3A_56 : vector<256x2048xf32>
      %mul3A_58 = vector.broadcast %get3A_47 : vector<256x1xf32> to vector<256x2048xf32>
      %mul3A_59 = vector.broadcast %get3A_50 : vector<1x2048xf32> to vector<256x2048xf32>
      %mul3A_60 = arith.mulf %mul3A_58, %mul3A_59 : vector<256x2048xf32>
      %add3A_61 = arith.constant 9.99999993E-9 : f32
      %add3A_62 = vector.broadcast %add3A_61 : f32 to vector<256x2048xf32>
      %add3A_63 = arith.addf %mul3A_60, %add3A_62 : vector<256x2048xf32>
      %div3A_64 = arith.divf %sub3A_57, %add3A_63 : vector<256x2048xf32>
      %swap3A_65 = arith.constant 0 : index
      %swap3A_66 = arith.constant 0 : index
      %swap3A_67 = vector.load %arg9[%swap3A_65, %swap3A_66] : memref<256x2048xf32, #tpu.memory_space<vmem>>, vector<256x2048xf32>
      tpu.vector_store %arg9[%swap3A_65, %swap3A_66], %div3A_64 {strides = array<i32>} : memref<256x2048xf32, #tpu.memory_space<vmem>>, vector<256x2048xf32>,
    } else {
    }
    %eq3A_2 = arith.constant 0 : i32
    %eq3A_3 = arith.cmpi eq, %arg0, %eq3A_2 : i32
    %convert_element_type3A_4 = arith.extui %eq3A_3 : i1 to i32
    %cond3A_5 = arith.constant 0 : i32
    %cond3A_6 = arith.cmpi ne, %convert_element_type3A_4, %cond3A_5 : i32
    scf.if %cond3A_6 {
      %get3A_37 = arith.index_cast %arg1 : i32 to index
      %get3A_38 = arith.constant 0 : index
      %get3A_39 = arith.constant 0 : index
      %get3A_40 = vector.load %arg4[%get3A_37, %get3A_38, %get3A_39] : memref<12x2048x64xbf16, #tpu.memory_space<vmem>>, vector<1x2048x64xbf16>
      %get3A_41 = vector.shape_cast %get3A_40 : vector<1x2048x64xbf16> to vector<2048x64xbf16>
      %swap3A_42 = arith.index_cast %arg1 : i32 to index
      %swap3A_43 = arith.constant 0 : index
      %swap3A_44 = arith.constant 0 : index
      %swap3A_45 = vector.load %arg10[%swap3A_42, %swap3A_43, %swap3A_44] : memref<12x2048x128xbf16, #tpu.memory_space<vmem>>, vector<1x2048x64xbf16>
      %swap3A_46 = vector.shape_cast %swap3A_45 : vector<1x2048x64xbf16> to vector<2048x64xbf16>
      %swap3A_47 = vector.shape_cast %get3A_41 : vector<2048x64xbf16> to vector<1x2048x64xbf16>
      tpu.vector_store %arg10[%swap3A_42, %swap3A_43, %swap3A_44], %swap3A_47 {strides = array<i32>} : memref<12x2048x128xbf16, #tpu.memory_space<vmem>>, vector<1x2048x64xbf16>,
      %broadcast_in_dim3A_48 = arith.constant 1.000000e+00 : bf16
      %broadcast_in_dim3A_49 = vector.broadcast %broadcast_in_dim3A_48 : bf16 to vector<2048x64xbf16>
      %swap3A_50 = arith.index_cast %arg1 : i32 to index
      %swap3A_51 = arith.constant 0 : index
      %swap3A_52 = arith.constant 64 : index
      %swap3A_53 = vector.load %arg10[%swap3A_50, %swap3A_51, %swap3A_52] : memref<12x2048x128xbf16, #tpu.memory_space<vmem>>, vector<1x2048x64xbf16>
      %swap3A_54 = vector.shape_cast %swap3A_53 : vector<1x2048x64xbf16> to vector<2048x64xbf16>
      %swap3A_55 = vector.shape_cast %broadcast_in_dim3A_49 : vector<2048x64xbf16> to vector<1x2048x64xbf16>
      tpu.vector_store %arg10[%swap3A_50, %swap3A_51, %swap3A_52], %swap3A_55 {strides = array<i32>} : memref<12x2048x128xbf16, #tpu.memory_space<vmem>>, vector<1x2048x64xbf16>,
    } else {
    }
    %get3A = arith.constant 0 : index
    %get3A_7 = arith.constant 0 : index
    %get3A_8 = arith.constant 0 : index
    %get3A_9 = vector.load %arg2[%get3A, %get3A_7, %get3A_8] : memref<1x256x64xbf16, #tpu.memory_space<vmem>>, vector<1x256x64xbf16>
    %get3A_10 = vector.shape_cast %get3A_9 : vector<1x256x64xbf16> to vector<256x64xbf16>
    %get3A_11 = arith.index_cast %arg1 : i32 to index
    %get3A_12 = arith.constant 0 : index
    %get3A_13 = arith.constant 0 : index
    %get3A_14 = vector.load %arg3[%get3A_11, %get3A_12, %get3A_13] : memref<12x2048x64xbf16, #tpu.memory_space<vmem>>, vector<1x2048x64xbf16>
    %get3A_15 = vector.shape_cast %get3A_14 : vector<1x2048x64xbf16> to vector<2048x64xbf16>
    %dot_general3A = arith.constant dense<0.000000e+00> : vector<256x2048xf32>
    %dot_general3A_16 = tpu.matmul %get3A_10, %get3A_15, %dot_general3A {dimension_numbers = #tpu.dot_dimension_numbers<[1], [1], [0], [0], [0, 0, 1, 0], [], []>, transpose_lhs_hint = false} : vector<256x64xbf16>, vector<2048x64xbf16>, vector<256x2048xf32> -> vector<256x2048xf32>
    %get3A_17 = arith.constant 0 : index
    %get3A_18 = arith.constant 0 : index
    %get3A_19 = vector.load %arg9[%get3A_17, %get3A_18] : memref<256x2048xf32, #tpu.memory_space<vmem>>, vector<256x2048xf32>
    %add3A = arith.addf %dot_general3A_16, %get3A_19 : vector<256x2048xf32>
    %reduce_max3A = arith.constant dense<0xFF800000> : vector<256xf32>
    %reduce_max3A_20 = vector.multi_reduction <maximumf>, %add3A, %reduce_max3A [1] : vector<256x2048xf32> to vector<256xf32>
    %broadcast_in_dim3A = vector.shape_cast %reduce_max3A_20 : vector<256xf32> to vector<256x1xf32>
    %sub3A = vector.broadcast %broadcast_in_dim3A : vector<256x1xf32> to vector<256x2048xf32>
    %sub3A_21 = arith.subf %add3A, %sub3A : vector<256x2048xf32>
    %exp23A = math.exp2 %sub3A_21 : vector<256x2048xf32>
    %convert_element_type3A_22 = arith.truncf %exp23A : vector<256x2048xf32> to vector<256x2048xbf16>
    %get3A_23 = arith.index_cast %arg1 : i32 to index
    %get3A_24 = arith.constant 0 : index
    %get3A_25 = arith.constant 0 : index
    %get3A_26 = vector.load %arg10[%get3A_23, %get3A_24, %get3A_25] : memref<12x2048x128xbf16, #tpu.memory_space<vmem>>, vector<1x2048x128xbf16>
    %get3A_27 = vector.shape_cast %get3A_26 : vector<1x2048x128xbf16> to vector<2048x128xbf16>
    %dot_general3A_28 = arith.constant dense<0.000000e+00> : vector<256x128xf32>
    %dot_general3A_29 = tpu.matmul %convert_element_type3A_22, %get3A_27, %dot_general3A_28 {dimension_numbers = #tpu.dot_dimension_numbers<[1], [0], [0], [1], [0, 0, 1, 1], [], []>, transpose_lhs_hint = false} : vector<256x2048xbf16>, vector<2048x128xbf16>, vector<256x128xf32> -> vector<256x128xf32>
    %slice3A = vector.extract_strided_slice %dot_general3A_29 {offsets = [0, 0], sizes = [256, 64], strides = [1, 1]} : vector<256x128xf32> to vector<256x64xf32>
    %slice3A_30 = vector.extract_strided_slice %dot_general3A_29 {offsets = [0, 64], sizes = [256, 1], strides = [1, 1]} : vector<256x128xf32> to vector<256x1xf32>
    %div3A = vector.broadcast %slice3A_30 : vector<256x1xf32> to vector<256x64xf32>
    %div3A_31 = arith.divf %slice3A, %div3A : vector<256x64xf32>
    %swap3A = arith.constant 0 : index
    %swap3A_32 = arith.constant 0 : index
    %swap3A_33 = arith.constant 0 : index
    %swap3A_34 = vector.load %arg8[%swap3A, %swap3A_32, %swap3A_33] : memref<1x256x64xf32, #tpu.memory_space<vmem>>, vector<1x256x64xf32>
    %swap3A_35 = vector.shape_cast %swap3A_34 : vector<1x256x64xf32> to vector<256x64xf32>
    %swap3A_36 = vector.shape_cast %div3A_31 : vector<256x64xf32> to vector<1x256x64xf32>
    tpu.vector_store %arg8[%swap3A, %swap3A_32, %swap3A_33], %swap3A_36 {strides = array<i32>} : memref<1x256x64xf32, #tpu.memory_space<vmem>>, vector<1x256x64xf32>,
    return
  }
  func.func @transform_0(%arg0: i32, %arg1: i32) -> (i32, i32, i32) {
    %c0_i32 = arith.constant 0 : i32
    %c0_i32_0 = arith.constant 0 : i32
    return %arg1, %arg0, %c0_i32 : i32, i32, i32
  }
  func.func @transform_1(%arg0: i32, %arg1: i32) -> (i32, i32, i32) {
    %c1_i32 = arith.constant 1 : i32
    %c0_i32 = arith.constant 0 : i32
    %c0_i32_0 = arith.constant 0 : i32
    %c0_i32_1 = arith.constant 0 : i32
    return %c1_i32, %c0_i32, %c0_i32_0 : i32, i32, i32
  }
  func.func @transform_2(%arg0: i32, %arg1: i32) -> (i32, i32, i32) {
    %c2_i32 = arith.constant 2 : i32
    %c0_i32 = arith.constant 0 : i32
    %c0_i32_0 = arith.constant 0 : i32
    %c0_i32_1 = arith.constant 0 : i32
    return %c2_i32, %c0_i32, %c0_i32_0 : i32, i32, i32
  }
  func.func @transform_3(%arg0: i32, %arg1: i32) -> (i32, i32) {
    %c0_i32 = arith.constant 0 : i32
    %c0_i32_0 = arith.constant 0 : i32
    return %arg0, %c0_i32 : i32, i32
  }
  func.func @transform_4(%arg0: i32, %arg1: i32) -> (i32, i32) {
    %c0_i32 = arith.constant 0 : i32
    %c0_i32_0 = arith.constant 0 : i32
    %c0_i32_1 = arith.constant 0 : i32
    return %c0_i32, %c0_i32_0 : i32, i32
  }
  func.func @transform_5(%arg0: i32, %arg1: i32) -> (i32, i32) {
    %c0_i32 = arith.constant 0 : i32
    %c0_i32_0 = arith.constant 0 : i32
    %c0_i32_1 = arith.constant 0 : i32
    return %c0_i32, %c0_i32_0 : i32, i32
  }
  func.func @transform_6(%arg0: i32, %arg1: i32) -> (i32, i32, i32) {
    %c0_i32 = arith.constant 0 : i32
    %c0_i32_0 = arith.constant 0 : i32
    return %arg1, %arg0, %c0_i32 : i32, i32, i32
  }
}

module attributes {stable_mosaic.version = 14 : i64} {
  func.func @_qkv_body(%arg0: i32, %arg1: memref<2048x768xf32, #tpu.memory_space<vmem>>, %arg2: memref<768x256xf32, #tpu.memory_space<vmem>>, %arg3: memref<1x256xf32, #tpu.memory_space<vmem>>, %arg4: memref<4x2048x64xbf16, #tpu.memory_space<vmem>>) attributes {dimension_semantics = [#tpu.dimension_semantics<arbitrary>], iteration_bounds = array<i64: 9>, scalar_prefetch = 0 : i64, scratch_operands = 0 : i64, tpu.core_type = #tpu.core_type<tc>, window_params = [{pipeline_mode = #tpu.pipeline_mode<synchronous>, transform_indices = @transform_0, window_bounds = array<i64: 2048, 768>}, {transform_indices = @transform_1, window_bounds = array<i64: 768, 256>}, {transform_indices = @transform_2, window_bounds = array<i64: 1, 256>}, {transform_indices = @transform_3, window_bounds = array<i64: 4, 2048, 64>}]} {
    %get3A = arith.constant 0 : index
    %get3A_0 = arith.constant 0 : index
    %get3A_1 = vector.load %arg1[%get3A, %get3A_0] : memref<2048x768xf32, #tpu.memory_space<vmem>>, vector<2048x768xf32>
    %get3A_2 = arith.constant 0 : index
    %get3A_3 = arith.constant 0 : index
    %get3A_4 = vector.load %arg2[%get3A_2, %get3A_3] : memref<768x256xf32, #tpu.memory_space<vmem>>, vector<768x256xf32>
    %dot_general3A = arith.constant dense<0.000000e+00> : vector<2048x256xf32>
    %dot_general3A_5 = tpu.matmul %get3A_1, %get3A_4, %dot_general3A {dimension_numbers = #tpu.dot_dimension_numbers<[1], [0], [0], [1], [0, 0, 1, 1], [], []>, transpose_lhs_hint = false} : vector<2048x768xf32>, vector<768x256xf32>, vector<2048x256xf32> -> vector<2048x256xf32>
    %get3A_6 = arith.constant 0 : index
    %get3A_7 = arith.constant 0 : index
    %get3A_8 = vector.load %arg3[%get3A_6, %get3A_7] : memref<1x256xf32, #tpu.memory_space<vmem>>, vector<1x256xf32>
    %add3A = vector.broadcast %get3A_8 : vector<1x256xf32> to vector<2048x256xf32>
    %add3A_9 = arith.addf %dot_general3A_5, %add3A : vector<2048x256xf32>
    %reshape3A = vector.shape_cast %add3A_9 : vector<2048x256xf32> to vector<2048x4x64xf32>
    %transpose3A = tpu.transpose %reshape3A, [1, 0, 2] : vector<2048x4x64xf32> -> vector<4x2048x64xf32>
    %convert_element_type3A = arith.truncf %transpose3A : vector<4x2048x64xf32> to vector<4x2048x64xbf16>
    %swap3A = arith.constant 0 : index
    %swap3A_10 = arith.constant 0 : index
    %swap3A_11 = arith.constant 0 : index
    %swap3A_12 = vector.load %arg4[%swap3A, %swap3A_10, %swap3A_11] : memref<4x2048x64xbf16, #tpu.memory_space<vmem>>, vector<4x2048x64xbf16>
    tpu.vector_store %arg4[%swap3A, %swap3A_10, %swap3A_11], %convert_element_type3A {strides = array<i32>} : memref<4x2048x64xbf16, #tpu.memory_space<vmem>>, vector<4x2048x64xbf16>,
    return
  }
  func.func @transform_0(%arg0: i32) -> (i32, i32) {
    %c0_i32 = arith.constant 0 : i32
    %c0_i32_0 = arith.constant 0 : i32
    %c0_i32_1 = arith.constant 0 : i32
    return %c0_i32, %c0_i32_0 : i32, i32
  }
  func.func @transform_1(%arg0: i32) -> (i32, i32) {
    %c0_i32 = arith.constant 0 : i32
    %c0_i32_0 = arith.constant 0 : i32
    return %c0_i32, %arg0 : i32, i32
  }
  func.func @transform_2(%arg0: i32) -> (i32, i32) {
    %c0_i32 = arith.constant 0 : i32
    %c0_i32_0 = arith.constant 0 : i32
    return %c0_i32, %arg0 : i32, i32
  }
  func.func @transform_3(%arg0: i32) -> (i32, i32, i32) {
    %c0_i32 = arith.constant 0 : i32
    %c0_i32_0 = arith.constant 0 : i32
    %c0_i32_1 = arith.constant 0 : i32
    return %arg0, %c0_i32, %c0_i32_0 : i32, i32, i32
  }
}

module attributes {stable_mosaic.version = 14 : i64} {
  func.func @_post_body(%arg0: i32, %arg1: memref<256x768xf32, #tpu.memory_space<vmem>>, %arg2: memref<768x768xf32, #tpu.memory_space<vmem>>, %arg3: memref<1x768xf32, #tpu.memory_space<vmem>>, %arg4: memref<256x768xf32, #tpu.memory_space<vmem>>, %arg5: memref<1x768xf32, #tpu.memory_space<vmem>>, %arg6: memref<1x768xf32, #tpu.memory_space<vmem>>, %arg7: memref<768x8xf32, #tpu.memory_space<vmem>>, %arg8: memref<1x8xf32, #tpu.memory_space<vmem>>, %arg9: memref<256x768xf32, #tpu.memory_space<vmem>>, %arg10: memref<256x8xf32, #tpu.memory_space<vmem>>) attributes {dimension_semantics = [#tpu.dimension_semantics<arbitrary>], iteration_bounds = array<i64: 8>, scalar_prefetch = 0 : i64, scratch_operands = 0 : i64, tpu.core_type = #tpu.core_type<tc>, window_params = [{transform_indices = @transform_0, window_bounds = array<i64: 256, 768>}, {pipeline_mode = #tpu.pipeline_mode<synchronous>, transform_indices = @transform_1, window_bounds = array<i64: 768, 768>}, {pipeline_mode = #tpu.pipeline_mode<synchronous>, transform_indices = @transform_2, window_bounds = array<i64: 1, 768>}, {transform_indices = @transform_3, window_bounds = array<i64: 256, 768>}, {pipeline_mode = #tpu.pipeline_mode<synchronous>, transform_indices = @transform_4, window_bounds = array<i64: 1, 768>}, {pipeline_mode = #tpu.pipeline_mode<synchronous>, transform_indices = @transform_5, window_bounds = array<i64: 1, 768>}, {pipeline_mode = #tpu.pipeline_mode<synchronous>, transform_indices = @transform_6, window_bounds = array<i64: 768, 8>}, {pipeline_mode = #tpu.pipeline_mode<synchronous>, transform_indices = @transform_7, window_bounds = array<i64: 1, 8>}, {transform_indices = @transform_8, window_bounds = array<i64: 256, 768>}, {transform_indices = @transform_9, window_bounds = array<i64: 256, 8>}]} {
    %get3A = arith.constant 0 : index
    %get3A_0 = arith.constant 0 : index
    %get3A_1 = vector.load %arg1[%get3A, %get3A_0] : memref<256x768xf32, #tpu.memory_space<vmem>>, vector<256x768xf32>
    %get3A_2 = arith.constant 0 : index
    %get3A_3 = arith.constant 0 : index
    %get3A_4 = vector.load %arg2[%get3A_2, %get3A_3] : memref<768x768xf32, #tpu.memory_space<vmem>>, vector<768x768xf32>
    %dot_general3A = arith.constant dense<0.000000e+00> : vector<256x768xf32>
    %dot_general3A_5 = tpu.matmul %get3A_1, %get3A_4, %dot_general3A {dimension_numbers = #tpu.dot_dimension_numbers<[1], [0], [0], [1], [0, 0, 1, 1], [], []>, transpose_lhs_hint = false} : vector<256x768xf32>, vector<768x768xf32>, vector<256x768xf32> -> vector<256x768xf32>
    %get3A_6 = arith.constant 0 : index
    %get3A_7 = arith.constant 0 : index
    %get3A_8 = vector.load %arg4[%get3A_6, %get3A_7] : memref<256x768xf32, #tpu.memory_space<vmem>>, vector<256x768xf32>
    %add3A = arith.addf %get3A_8, %dot_general3A_5 : vector<256x768xf32>
    %get3A_9 = arith.constant 0 : index
    %get3A_10 = arith.constant 0 : index
    %get3A_11 = vector.load %arg3[%get3A_9, %get3A_10] : memref<1x768xf32, #tpu.memory_space<vmem>>, vector<1x768xf32>
    %add3A_12 = vector.broadcast %get3A_11 : vector<1x768xf32> to vector<256x768xf32>
    %add3A_13 = arith.addf %add3A, %add3A_12 : vector<256x768xf32>
    %get3A_14 = arith.constant 0 : index
    %get3A_15 = arith.constant 0 : index
    %get3A_16 = vector.load %arg5[%get3A_14, %get3A_15] : memref<1x768xf32, #tpu.memory_space<vmem>>, vector<1x768xf32>
    %get3A_17 = arith.constant 0 : index
    %get3A_18 = arith.constant 0 : index
    %get3A_19 = vector.load %arg6[%get3A_17, %get3A_18] : memref<1x768xf32, #tpu.memory_space<vmem>>, vector<1x768xf32>
    %reduce_sum3A = arith.constant dense<0.000000e+00> : vector<256xf32>
    %reduce_sum3A_20 = vector.multi_reduction <add>, %add3A_13, %reduce_sum3A [1] : vector<256x768xf32> to vector<256xf32>
    %broadcast_in_dim3A = vector.shape_cast %reduce_sum3A_20 : vector<256xf32> to vector<256x1xf32>
    %div3A = arith.constant 7.680000e+02 : f32
    %div3A_21 = vector.broadcast %div3A : f32 to vector<256x1xf32>
    %div3A_22 = arith.divf %broadcast_in_dim3A, %div3A_21 : vector<256x1xf32>
    %sub3A = vector.broadcast %div3A_22 : vector<256x1xf32> to vector<256x768xf32>
    %sub3A_23 = arith.subf %add3A_13, %sub3A : vector<256x768xf32>
    %integer_pow3A = arith.mulf %sub3A_23, %sub3A_23 : vector<256x768xf32>
    %reduce_sum3A_24 = arith.constant dense<0.000000e+00> : vector<256xf32>
    %reduce_sum3A_25 = vector.multi_reduction <add>, %integer_pow3A, %reduce_sum3A_24 [1] : vector<256x768xf32> to vector<256xf32>
    %broadcast_in_dim3A_26 = vector.shape_cast %reduce_sum3A_25 : vector<256xf32> to vector<256x1xf32>
    %div3A_27 = arith.constant 7.680000e+02 : f32
    %div3A_28 = vector.broadcast %div3A_27 : f32 to vector<256x1xf32>
    %div3A_29 = arith.divf %broadcast_in_dim3A_26, %div3A_28 : vector<256x1xf32>
    %sub3A_30 = vector.broadcast %div3A_22 : vector<256x1xf32> to vector<256x768xf32>
    %sub3A_31 = arith.subf %add3A_13, %sub3A_30 : vector<256x768xf32>
    %add3A_32 = arith.constant 9.99999974E-6 : f32
    %add3A_33 = vector.broadcast %add3A_32 : f32 to vector<256x1xf32>
    %add3A_34 = arith.addf %div3A_29, %add3A_33 : vector<256x1xf32>
    %rsqrt3A = math.rsqrt %add3A_34 : vector<256x1xf32>
    %mul3A = vector.broadcast %rsqrt3A : vector<256x1xf32> to vector<256x768xf32>
    %mul3A_35 = arith.mulf %sub3A_31, %mul3A : vector<256x768xf32>
    %mul3A_36 = vector.broadcast %get3A_16 : vector<1x768xf32> to vector<256x768xf32>
    %mul3A_37 = arith.mulf %mul3A_35, %mul3A_36 : vector<256x768xf32>
    %add3A_38 = vector.broadcast %get3A_19 : vector<1x768xf32> to vector<256x768xf32>
    %add3A_39 = arith.addf %mul3A_37, %add3A_38 : vector<256x768xf32>
    %swap3A = arith.constant 0 : index
    %swap3A_40 = arith.constant 0 : index
    %swap3A_41 = vector.load %arg9[%swap3A, %swap3A_40] : memref<256x768xf32, #tpu.memory_space<vmem>>, vector<256x768xf32>
    tpu.vector_store %arg9[%swap3A, %swap3A_40], %add3A_39 {strides = array<i32>} : memref<256x768xf32, #tpu.memory_space<vmem>>, vector<256x768xf32>,
    %get3A_42 = arith.constant 0 : index
    %get3A_43 = arith.constant 0 : index
    %get3A_44 = vector.load %arg7[%get3A_42, %get3A_43] : memref<768x8xf32, #tpu.memory_space<vmem>>, vector<768x8xf32>
    %dot_general3A_45 = arith.constant dense<0.000000e+00> : vector<256x8xf32>
    %dot_general3A_46 = tpu.matmul %add3A_39, %get3A_44, %dot_general3A_45 {dimension_numbers = #tpu.dot_dimension_numbers<[1], [0], [0], [1], [0, 0, 1, 1], [], []>, transpose_lhs_hint = false} : vector<256x768xf32>, vector<768x8xf32>, vector<256x8xf32> -> vector<256x8xf32>
    %get3A_47 = arith.constant 0 : index
    %get3A_48 = arith.constant 0 : index
    %get3A_49 = vector.load %arg8[%get3A_47, %get3A_48] : memref<1x8xf32, #tpu.memory_space<vmem>>, vector<1x8xf32>
    %add3A_50 = vector.broadcast %get3A_49 : vector<1x8xf32> to vector<256x8xf32>
    %add3A_51 = arith.addf %dot_general3A_46, %add3A_50 : vector<256x8xf32>
    %swap3A_52 = arith.constant 0 : index
    %swap3A_53 = arith.constant 0 : index
    %swap3A_54 = vector.load %arg10[%swap3A_52, %swap3A_53] : memref<256x8xf32, #tpu.memory_space<vmem>>, vector<256x8xf32>
    tpu.vector_store %arg10[%swap3A_52, %swap3A_53], %add3A_51 {strides = array<i32>} : memref<256x8xf32, #tpu.memory_space<vmem>>, vector<256x8xf32>,
    return
  }
  func.func @transform_0(%arg0: i32) -> (i32, i32) {
    %c0_i32 = arith.constant 0 : i32
    %c0_i32_0 = arith.constant 0 : i32
    return %arg0, %c0_i32 : i32, i32
  }
  func.func @transform_1(%arg0: i32) -> (i32, i32) {
    %c0_i32 = arith.constant 0 : i32
    %c0_i32_0 = arith.constant 0 : i32
    %c0_i32_1 = arith.constant 0 : i32
    return %c0_i32, %c0_i32_0 : i32, i32
  }
  func.func @transform_2(%arg0: i32) -> (i32, i32) {
    %c0_i32 = arith.constant 0 : i32
    %c0_i32_0 = arith.constant 0 : i32
    %c0_i32_1 = arith.constant 0 : i32
    return %c0_i32, %c0_i32_0 : i32, i32
  }
  func.func @transform_3(%arg0: i32) -> (i32, i32) {
    %c0_i32 = arith.constant 0 : i32
    %c0_i32_0 = arith.constant 0 : i32
    return %arg0, %c0_i32 : i32, i32
  }
  func.func @transform_4(%arg0: i32) -> (i32, i32) {
    %c0_i32 = arith.constant 0 : i32
    %c0_i32_0 = arith.constant 0 : i32
    %c0_i32_1 = arith.constant 0 : i32
    return %c0_i32, %c0_i32_0 : i32, i32
  }
  func.func @transform_5(%arg0: i32) -> (i32, i32) {
    %c0_i32 = arith.constant 0 : i32
    %c0_i32_0 = arith.constant 0 : i32
    %c0_i32_1 = arith.constant 0 : i32
    return %c0_i32, %c0_i32_0 : i32, i32
  }
  func.func @transform_6(%arg0: i32) -> (i32, i32) {
    %c0_i32 = arith.constant 0 : i32
    %c0_i32_0 = arith.constant 0 : i32
    %c0_i32_1 = arith.constant 0 : i32
    return %c0_i32, %c0_i32_0 : i32, i32
  }
  func.func @transform_7(%arg0: i32) -> (i32, i32) {
    %c0_i32 = arith.constant 0 : i32
    %c0_i32_0 = arith.constant 0 : i32
    %c0_i32_1 = arith.constant 0 : i32
    return %c0_i32, %c0_i32_0 : i32, i32
  }
  func.func @transform_8(%arg0: i32) -> (i32, i32) {
    %c0_i32 = arith.constant 0 : i32
    %c0_i32_0 = arith.constant 0 : i32
    return %arg0, %c0_i32 : i32, i32
  }
  func.func @transform_9(%arg0: i32) -> (i32, i32) {
    %c0_i32 = arith.constant 0 : i32
    %c0_i32_0 = arith.constant 0 : i32
    return %arg0, %c0_i32 : i32, i32
  }
}

module attributes {stable_mosaic.version = 14 : i64} {
  func.func @_route_body(%arg0: memref<2048x8xf32, #tpu.memory_space<vmem>>, %arg1: memref<2048x1xi32, #tpu.memory_space<vmem>>, %arg2: memref<2048x1xi32, #tpu.memory_space<vmem>>, %arg3: memref<2048x2xf32, #tpu.memory_space<vmem>>, %arg4: memref<24x1xi32, #tpu.memory_space<vmem>>, %arg5: memref<1x1xi32, #tpu.memory_space<vmem>>) attributes {dimension_semantics = [], scalar_prefetch = 0 : i64, scratch_operands = 0 : i64, tpu.core_type = #tpu.core_type<tc>} {
    %get3A = arith.constant 0 : index
    %get3A_0 = arith.constant 0 : index
    %get3A_1 = vector.load %arg0[%get3A, %get3A_0] : memref<2048x8xf32, #tpu.memory_space<vmem>>, vector<2048x8xf32>
    %reduce_max3A = arith.constant dense<0xFF800000> : vector<2048xf32>
    %reduce_max3A_2 = vector.multi_reduction <maximumf>, %get3A_1, %reduce_max3A [1] : vector<2048x8xf32> to vector<2048xf32>
    %broadcast_in_dim3A = vector.shape_cast %reduce_max3A_2 : vector<2048xf32> to vector<2048x1xf32>
    %sub3A = vector.broadcast %broadcast_in_dim3A : vector<2048x1xf32> to vector<2048x8xf32>
    %sub3A_3 = arith.subf %get3A_1, %sub3A : vector<2048x8xf32>
    %exp3A = math.exp %sub3A_3 : vector<2048x8xf32>
    %reduce_sum3A = arith.constant dense<0.000000e+00> : vector<2048xf32>
    %reduce_sum3A_4 = vector.multi_reduction <add>, %exp3A, %reduce_sum3A [1] : vector<2048x8xf32> to vector<2048xf32>
    %broadcast_in_dim3A_5 = vector.shape_cast %reduce_sum3A_4 : vector<2048xf32> to vector<2048x1xf32>
    %div3A = vector.broadcast %broadcast_in_dim3A_5 : vector<2048x1xf32> to vector<2048x8xf32>
    %div3A_6 = arith.divf %exp3A, %div3A : vector<2048x8xf32>
    %iota3A = tpu.iota {dimensions = array<i32: 1>} : vector<2048x8xi32>
    %reduce_max3A_7 = arith.constant dense<0xFF800000> : vector<2048xf32>
    %reduce_max3A_8 = vector.multi_reduction <maximumf>, %div3A_6, %reduce_max3A_7 [1] : vector<2048x8xf32> to vector<2048xf32>
    %broadcast_in_dim3A_9 = vector.shape_cast %reduce_max3A_8 : vector<2048xf32> to vector<2048x1xf32>
    %eq3A = vector.broadcast %broadcast_in_dim3A_9 : vector<2048x1xf32> to vector<2048x8xf32>
    %eq3A_10 = arith.cmpf oeq, %div3A_6, %eq3A : vector<2048x8xf32>
    %jit3A = arith.constant 8 : i32
    %broadcast_in_dim3A_11 = vector.broadcast %jit3A : i32 to vector<2048x8xi32>
    %select_n3A = arith.select %eq3A_10, %iota3A, %broadcast_in_dim3A_11 : vector<2048x8xi1>, vector<2048x8xi32>
    %reduce_min3A = arith.constant dense<2147483647> : vector<2048xi32>
    %reduce_min3A_12 = vector.multi_reduction <minsi>, %select_n3A, %reduce_min3A [1] : vector<2048x8xi32> to vector<2048xi32>
    %broadcast_in_dim3A_13 = vector.shape_cast %reduce_min3A_12 : vector<2048xi32> to vector<2048x1xi32>
    %eq3A_14 = vector.broadcast %broadcast_in_dim3A_13 : vector<2048x1xi32> to vector<2048x8xi32>
    %eq3A_15 = arith.cmpi eq, %iota3A, %eq3A_14 : vector<2048x8xi32>
    %convert_element_type3A = arith.extui %eq3A_15 : vector<2048x8xi1> to vector<2048x8xi32>
    %convert_element_type3A_16 = arith.sitofp %convert_element_type3A : vector<2048x8xi32> to vector<2048x8xf32>
    %eq3A_17 = vector.broadcast %broadcast_in_dim3A_13 : vector<2048x1xi32> to vector<2048x8xi32>
    %eq3A_18 = arith.cmpi eq, %iota3A, %eq3A_17 : vector<2048x8xi32>
    %jit3A_19 = arith.constant 0xFF800000 : f32
    %broadcast_in_dim3A_20 = vector.broadcast %jit3A_19 : f32 to vector<2048x8xf32>
    %select_n3A_21 = arith.select %eq3A_18, %broadcast_in_dim3A_20, %div3A_6 : vector<2048x8xi1>, vector<2048x8xf32>
    %reduce_max3A_22 = arith.constant dense<0xFF800000> : vector<2048xf32>
    %reduce_max3A_23 = vector.multi_reduction <maximumf>, %select_n3A_21, %reduce_max3A_22 [1] : vector<2048x8xf32> to vector<2048xf32>
    %broadcast_in_dim3A_24 = vector.shape_cast %reduce_max3A_23 : vector<2048xf32> to vector<2048x1xf32>
    %eq3A_25 = vector.broadcast %broadcast_in_dim3A_24 : vector<2048x1xf32> to vector<2048x8xf32>
    %eq3A_26 = arith.cmpf oeq, %select_n3A_21, %eq3A_25 : vector<2048x8xf32>
    %jit3A_27 = arith.constant 8 : i32
    %broadcast_in_dim3A_28 = vector.broadcast %jit3A_27 : i32 to vector<2048x8xi32>
    %select_n3A_29 = arith.select %eq3A_26, %iota3A, %broadcast_in_dim3A_28 : vector<2048x8xi1>, vector<2048x8xi32>
    %reduce_min3A_30 = arith.constant dense<2147483647> : vector<2048xi32>
    %reduce_min3A_31 = vector.multi_reduction <minsi>, %select_n3A_29, %reduce_min3A_30 [1] : vector<2048x8xi32> to vector<2048xi32>
    %broadcast_in_dim3A_32 = vector.shape_cast %reduce_min3A_31 : vector<2048xi32> to vector<2048x1xi32>
    %eq3A_33 = vector.broadcast %broadcast_in_dim3A_32 : vector<2048x1xi32> to vector<2048x8xi32>
    %eq3A_34 = arith.cmpi eq, %iota3A, %eq3A_33 : vector<2048x8xi32>
    %convert_element_type3A_35 = arith.extui %eq3A_34 : vector<2048x8xi1> to vector<2048x8xi32>
    %convert_element_type3A_36 = arith.sitofp %convert_element_type3A_35 : vector<2048x8xi32> to vector<2048x8xf32>
    %concatenate3A = tpu.concatenate %broadcast_in_dim3A_9, %broadcast_in_dim3A_24 in 1 : vector<2048x1xf32>, vector<2048x1xf32> -> vector<2048x2xf32>
    %swap3A = arith.constant 0 : index
    %swap3A_37 = arith.constant 0 : index
    %swap3A_38 = vector.load %arg3[%swap3A, %swap3A_37] : memref<2048x2xf32, #tpu.memory_space<vmem>>, vector<2048x2xf32>
    tpu.vector_store %arg3[%swap3A, %swap3A_37], %concatenate3A {strides = array<i32>} : memref<2048x2xf32, #tpu.memory_space<vmem>>, vector<2048x2xf32>,
    %broadcast_in_dim3A_39 = arith.constant 0.000000e+00 : f32
    %broadcast_in_dim3A_40 = vector.broadcast %broadcast_in_dim3A_39 : f32 to vector<1x8xf32>
    %slice3A = vector.extract_strided_slice %convert_element_type3A_16 {offsets = [0, 0], sizes = [2047, 8], strides = [1, 1]} : vector<2048x8xf32> to vector<2047x8xf32>
    %concatenate3A_41 = tpu.concatenate %broadcast_in_dim3A_40, %slice3A in 0 : vector<1x8xf32>, vector<2047x8xf32> -> vector<2048x8xf32>
    %add3A = arith.addf %convert_element_type3A_16, %concatenate3A_41 : vector<2048x8xf32>
    %slice3A_42 = vector.extract_strided_slice %convert_element_type3A_36 {offsets = [0, 0], sizes = [2047, 8], strides = [1, 1]} : vector<2048x8xf32> to vector<2047x8xf32>
    %concatenate3A_43 = tpu.concatenate %broadcast_in_dim3A_40, %slice3A_42 in 0 : vector<1x8xf32>, vector<2047x8xf32> -> vector<2048x8xf32>
    %add3A_44 = arith.addf %convert_element_type3A_36, %concatenate3A_43 : vector<2048x8xf32>
    %broadcast_in_dim3A_45 = arith.constant 0.000000e+00 : f32
    %broadcast_in_dim3A_46 = vector.broadcast %broadcast_in_dim3A_45 : f32 to vector<2x8xf32>
    %slice3A_47 = vector.extract_strided_slice %add3A {offsets = [0, 0], sizes = [2046, 8], strides = [1, 1]} : vector<2048x8xf32> to vector<2046x8xf32>
    %concatenate3A_48 = tpu.concatenate %broadcast_in_dim3A_46, %slice3A_47 in 0 : vector<2x8xf32>, vector<2046x8xf32> -> vector<2048x8xf32>
    %add3A_49 = arith.addf %add3A, %concatenate3A_48 : vector<2048x8xf32>
    %slice3A_50 = vector.extract_strided_slice %add3A_44 {offsets = [0, 0], sizes = [2046, 8], strides = [1, 1]} : vector<2048x8xf32> to vector<2046x8xf32>
    %concatenate3A_51 = tpu.concatenate %broadcast_in_dim3A_46, %slice3A_50 in 0 : vector<2x8xf32>, vector<2046x8xf32> -> vector<2048x8xf32>
    %add3A_52 = arith.addf %add3A_44, %concatenate3A_51 : vector<2048x8xf32>
    %broadcast_in_dim3A_53 = arith.constant 0.000000e+00 : f32
    %broadcast_in_dim3A_54 = vector.broadcast %broadcast_in_dim3A_53 : f32 to vector<4x8xf32>
    %slice3A_55 = vector.extract_strided_slice %add3A_49 {offsets = [0, 0], sizes = [2044, 8], strides = [1, 1]} : vector<2048x8xf32> to vector<2044x8xf32>
    %concatenate3A_56 = tpu.concatenate %broadcast_in_dim3A_54, %slice3A_55 in 0 : vector<4x8xf32>, vector<2044x8xf32> -> vector<2048x8xf32>
    %add3A_57 = arith.addf %add3A_49, %concatenate3A_56 : vector<2048x8xf32>
    %slice3A_58 = vector.extract_strided_slice %add3A_52 {offsets = [0, 0], sizes = [2044, 8], strides = [1, 1]} : vector<2048x8xf32> to vector<2044x8xf32>
    %concatenate3A_59 = tpu.concatenate %broadcast_in_dim3A_54, %slice3A_58 in 0 : vector<4x8xf32>, vector<2044x8xf32> -> vector<2048x8xf32>
    %add3A_60 = arith.addf %add3A_52, %concatenate3A_59 : vector<2048x8xf32>
    %broadcast_in_dim3A_61 = arith.constant 0.000000e+00 : f32
    %broadcast_in_dim3A_62 = vector.broadcast %broadcast_in_dim3A_61 : f32 to vector<8x8xf32>
    %slice3A_63 = vector.extract_strided_slice %add3A_57 {offsets = [0, 0], sizes = [2040, 8], strides = [1, 1]} : vector<2048x8xf32> to vector<2040x8xf32>
    %concatenate3A_64 = tpu.concatenate %broadcast_in_dim3A_62, %slice3A_63 in 0 : vector<8x8xf32>, vector<2040x8xf32> -> vector<2048x8xf32>
    %add3A_65 = arith.addf %add3A_57, %concatenate3A_64 : vector<2048x8xf32>
    %slice3A_66 = vector.extract_strided_slice %add3A_60 {offsets = [0, 0], sizes = [2040, 8], strides = [1, 1]} : vector<2048x8xf32> to vector<2040x8xf32>
    %concatenate3A_67 = tpu.concatenate %broadcast_in_dim3A_62, %slice3A_66 in 0 : vector<8x8xf32>, vector<2040x8xf32> -> vector<2048x8xf32>
    %add3A_68 = arith.addf %add3A_60, %concatenate3A_67 : vector<2048x8xf32>
    %broadcast_in_dim3A_69 = arith.constant 0.000000e+00 : f32
    %broadcast_in_dim3A_70 = vector.broadcast %broadcast_in_dim3A_69 : f32 to vector<16x8xf32>
    %slice3A_71 = vector.extract_strided_slice %add3A_65 {offsets = [0, 0], sizes = [2032, 8], strides = [1, 1]} : vector<2048x8xf32> to vector<2032x8xf32>
    %concatenate3A_72 = tpu.concatenate %broadcast_in_dim3A_70, %slice3A_71 in 0 : vector<16x8xf32>, vector<2032x8xf32> -> vector<2048x8xf32>
    %add3A_73 = arith.addf %add3A_65, %concatenate3A_72 : vector<2048x8xf32>
    %slice3A_74 = vector.extract_strided_slice %add3A_68 {offsets = [0, 0], sizes = [2032, 8], strides = [1, 1]} : vector<2048x8xf32> to vector<2032x8xf32>
    %concatenate3A_75 = tpu.concatenate %broadcast_in_dim3A_70, %slice3A_74 in 0 : vector<16x8xf32>, vector<2032x8xf32> -> vector<2048x8xf32>
    %add3A_76 = arith.addf %add3A_68, %concatenate3A_75 : vector<2048x8xf32>
    %broadcast_in_dim3A_77 = arith.constant 0.000000e+00 : f32
    %broadcast_in_dim3A_78 = vector.broadcast %broadcast_in_dim3A_77 : f32 to vector<32x8xf32>
    %slice3A_79 = vector.extract_strided_slice %add3A_73 {offsets = [0, 0], sizes = [2016, 8], strides = [1, 1]} : vector<2048x8xf32> to vector<2016x8xf32>
    %concatenate3A_80 = tpu.concatenate %broadcast_in_dim3A_78, %slice3A_79 in 0 : vector<32x8xf32>, vector<2016x8xf32> -> vector<2048x8xf32>
    %add3A_81 = arith.addf %add3A_73, %concatenate3A_80 : vector<2048x8xf32>
    %slice3A_82 = vector.extract_strided_slice %add3A_76 {offsets = [0, 0], sizes = [2016, 8], strides = [1, 1]} : vector<2048x8xf32> to vector<2016x8xf32>
    %concatenate3A_83 = tpu.concatenate %broadcast_in_dim3A_78, %slice3A_82 in 0 : vector<32x8xf32>, vector<2016x8xf32> -> vector<2048x8xf32>
    %add3A_84 = arith.addf %add3A_76, %concatenate3A_83 : vector<2048x8xf32>
    %broadcast_in_dim3A_85 = arith.constant 0.000000e+00 : f32
    %broadcast_in_dim3A_86 = vector.broadcast %broadcast_in_dim3A_85 : f32 to vector<64x8xf32>
    %slice3A_87 = vector.extract_strided_slice %add3A_81 {offsets = [0, 0], sizes = [1984, 8], strides = [1, 1]} : vector<2048x8xf32> to vector<1984x8xf32>
    %concatenate3A_88 = tpu.concatenate %broadcast_in_dim3A_86, %slice3A_87 in 0 : vector<64x8xf32>, vector<1984x8xf32> -> vector<2048x8xf32>
    %add3A_89 = arith.addf %add3A_81, %concatenate3A_88 : vector<2048x8xf32>
    %slice3A_90 = vector.extract_strided_slice %add3A_84 {offsets = [0, 0], sizes = [1984, 8], strides = [1, 1]} : vector<2048x8xf32> to vector<1984x8xf32>
    %concatenate3A_91 = tpu.concatenate %broadcast_in_dim3A_86, %slice3A_90 in 0 : vector<64x8xf32>, vector<1984x8xf32> -> vector<2048x8xf32>
    %add3A_92 = arith.addf %add3A_84, %concatenate3A_91 : vector<2048x8xf32>
    %broadcast_in_dim3A_93 = arith.constant 0.000000e+00 : f32
    %broadcast_in_dim3A_94 = vector.broadcast %broadcast_in_dim3A_93 : f32 to vector<128x8xf32>
    %slice3A_95 = vector.extract_strided_slice %add3A_89 {offsets = [0, 0], sizes = [1920, 8], strides = [1, 1]} : vector<2048x8xf32> to vector<1920x8xf32>
    %concatenate3A_96 = tpu.concatenate %broadcast_in_dim3A_94, %slice3A_95 in 0 : vector<128x8xf32>, vector<1920x8xf32> -> vector<2048x8xf32>
    %add3A_97 = arith.addf %add3A_89, %concatenate3A_96 : vector<2048x8xf32>
    %slice3A_98 = vector.extract_strided_slice %add3A_92 {offsets = [0, 0], sizes = [1920, 8], strides = [1, 1]} : vector<2048x8xf32> to vector<1920x8xf32>
    %concatenate3A_99 = tpu.concatenate %broadcast_in_dim3A_94, %slice3A_98 in 0 : vector<128x8xf32>, vector<1920x8xf32> -> vector<2048x8xf32>
    %add3A_100 = arith.addf %add3A_92, %concatenate3A_99 : vector<2048x8xf32>
    %broadcast_in_dim3A_101 = arith.constant 0.000000e+00 : f32
    %broadcast_in_dim3A_102 = vector.broadcast %broadcast_in_dim3A_101 : f32 to vector<256x8xf32>
    %slice3A_103 = vector.extract_strided_slice %add3A_97 {offsets = [0, 0], sizes = [1792, 8], strides = [1, 1]} : vector<2048x8xf32> to vector<1792x8xf32>
    %concatenate3A_104 = tpu.concatenate %broadcast_in_dim3A_102, %slice3A_103 in 0 : vector<256x8xf32>, vector<1792x8xf32> -> vector<2048x8xf32>
    %add3A_105 = arith.addf %add3A_97, %concatenate3A_104 : vector<2048x8xf32>
    %slice3A_106 = vector.extract_strided_slice %add3A_100 {offsets = [0, 0], sizes = [1792, 8], strides = [1, 1]} : vector<2048x8xf32> to vector<1792x8xf32>
    %concatenate3A_107 = tpu.concatenate %broadcast_in_dim3A_102, %slice3A_106 in 0 : vector<256x8xf32>, vector<1792x8xf32> -> vector<2048x8xf32>
    %add3A_108 = arith.addf %add3A_100, %concatenate3A_107 : vector<2048x8xf32>
    %broadcast_in_dim3A_109 = arith.constant 0.000000e+00 : f32
    %broadcast_in_dim3A_110 = vector.broadcast %broadcast_in_dim3A_109 : f32 to vector<512x8xf32>
    %slice3A_111 = vector.extract_strided_slice %add3A_105 {offsets = [0, 0], sizes = [1536, 8], strides = [1, 1]} : vector<2048x8xf32> to vector<1536x8xf32>
    %concatenate3A_112 = tpu.concatenate %broadcast_in_dim3A_110, %slice3A_111 in 0 : vector<512x8xf32>, vector<1536x8xf32> -> vector<2048x8xf32>
    %add3A_113 = arith.addf %add3A_105, %concatenate3A_112 : vector<2048x8xf32>
    %slice3A_114 = vector.extract_strided_slice %add3A_108 {offsets = [0, 0], sizes = [1536, 8], strides = [1, 1]} : vector<2048x8xf32> to vector<1536x8xf32>
    %concatenate3A_115 = tpu.concatenate %broadcast_in_dim3A_110, %slice3A_114 in 0 : vector<512x8xf32>, vector<1536x8xf32> -> vector<2048x8xf32>
    %add3A_116 = arith.addf %add3A_108, %concatenate3A_115 : vector<2048x8xf32>
    %broadcast_in_dim3A_117 = arith.constant 0.000000e+00 : f32
    %broadcast_in_dim3A_118 = vector.broadcast %broadcast_in_dim3A_117 : f32 to vector<1024x8xf32>
    %slice3A_119 = vector.extract_strided_slice %add3A_113 {offsets = [0, 0], sizes = [1024, 8], strides = [1, 1]} : vector<2048x8xf32> to vector<1024x8xf32>
    %concatenate3A_120 = tpu.concatenate %broadcast_in_dim3A_118, %slice3A_119 in 0 : vector<1024x8xf32>, vector<1024x8xf32> -> vector<2048x8xf32>
    %add3A_121 = arith.addf %add3A_113, %concatenate3A_120 : vector<2048x8xf32>
    %slice3A_122 = vector.extract_strided_slice %add3A_116 {offsets = [0, 0], sizes = [1024, 8], strides = [1, 1]} : vector<2048x8xf32> to vector<1024x8xf32>
    %concatenate3A_123 = tpu.concatenate %broadcast_in_dim3A_118, %slice3A_122 in 0 : vector<1024x8xf32>, vector<1024x8xf32> -> vector<2048x8xf32>
    %add3A_124 = arith.addf %add3A_116, %concatenate3A_123 : vector<2048x8xf32>
    %add3A_125 = arith.addf %convert_element_type3A_16, %convert_element_type3A_36 : vector<2048x8xf32>
    %reduce_sum3A_126 = arith.constant dense<0.000000e+00> : vector<8xf32>
    %reduce_sum3A_127 = vector.multi_reduction <add>, %add3A_125, %reduce_sum3A_126 [0] : vector<2048x8xf32> to vector<8xf32>
    %broadcast_in_dim3A_128 = vector.shape_cast %reduce_sum3A_127 : vector<8xf32> to vector<1x8xf32>
    %add3A_129 = arith.constant 2.550000e+02 : f32
    %add3A_130 = vector.broadcast %add3A_129 : f32 to vector<1x8xf32>
    %add3A_131 = arith.addf %broadcast_in_dim3A_128, %add3A_130 : vector<1x8xf32>
    %div3A_132 = arith.constant 2.560000e+02 : f32
    %div3A_133 = vector.broadcast %div3A_132 : f32 to vector<1x8xf32>
    %div3A_134 = arith.divf %add3A_131, %div3A_133 : vector<1x8xf32>
    %floor3A = math.floor %div3A_134 : vector<1x8xf32>
    %broadcast_in_dim3A_135 = arith.constant 0.000000e+00 : f32
    %broadcast_in_dim3A_136 = vector.broadcast %broadcast_in_dim3A_135 : f32 to vector<1x1xf32>
    %slice3A_137 = vector.extract_strided_slice %floor3A {offsets = [0, 0], sizes = [1, 7], strides = [1, 1]} : vector<1x8xf32> to vector<1x7xf32>
    %concatenate3A_138 = tpu.concatenate %broadcast_in_dim3A_136, %slice3A_137 in 1 : vector<1x1xf32>, vector<1x7xf32> -> vector<1x8xf32>
    %add3A_139 = arith.addf %floor3A, %concatenate3A_138 : vector<1x8xf32>
    %broadcast_in_dim3A_140 = arith.constant 0.000000e+00 : f32
    %broadcast_in_dim3A_141 = vector.broadcast %broadcast_in_dim3A_140 : f32 to vector<1x2xf32>
    %slice3A_142 = vector.extract_strided_slice %add3A_139 {offsets = [0, 0], sizes = [1, 6], strides = [1, 1]} : vector<1x8xf32> to vector<1x6xf32>
    %concatenate3A_143 = tpu.concatenate %broadcast_in_dim3A_141, %slice3A_142 in 1 : vector<1x2xf32>, vector<1x6xf32> -> vector<1x8xf32>
    %add3A_144 = arith.addf %add3A_139, %concatenate3A_143 : vector<1x8xf32>
    %broadcast_in_dim3A_145 = arith.constant 0.000000e+00 : f32
    %broadcast_in_dim3A_146 = vector.broadcast %broadcast_in_dim3A_145 : f32 to vector<1x4xf32>
    %slice3A_147 = vector.extract_strided_slice %add3A_144 {offsets = [0, 0], sizes = [1, 4], strides = [1, 1]} : vector<1x8xf32> to vector<1x4xf32>
    %concatenate3A_148 = tpu.concatenate %broadcast_in_dim3A_146, %slice3A_147 in 1 : vector<1x4xf32>, vector<1x4xf32> -> vector<1x8xf32>
    %add3A_149 = arith.addf %add3A_144, %concatenate3A_148 : vector<1x8xf32>
    %sub3A_150 = arith.subf %add3A_149, %floor3A : vector<1x8xf32>
    %mul3A = arith.constant 2.560000e+02 : f32
    %mul3A_151 = vector.broadcast %mul3A : f32 to vector<1x8xf32>
    %mul3A_152 = arith.mulf %sub3A_150, %mul3A_151 : vector<1x8xf32>
    %reduce_sum3A_153 = vector.shape_cast %floor3A : vector<1x8xf32> to vector<1x1x8xf32>
    %reduce_sum3A_154 = arith.constant dense<0.000000e+00> : vector<1xf32>
    %reduce_sum3A_155 = vector.multi_reduction <add>, %reduce_sum3A_153, %reduce_sum3A_154 [1, 2] : vector<1x1x8xf32> to vector<1xf32>
    %reduce_sum3A_156 = vector.shape_cast %reduce_sum3A_155 : vector<1xf32> to vector<1x1x1xf32>
    %reduce_sum3A_157 = vector.extract %reduce_sum3A_156[0, 0, 0] : f32 from vector<1x1x1xf32>
    %sub3A_158 = arith.subf %add3A_121, %convert_element_type3A_16 : vector<2048x8xf32>
    %sub3A_159 = arith.subf %add3A_124, %convert_element_type3A_36 : vector<2048x8xf32>
    %add3A_160 = arith.addf %sub3A_158, %sub3A_159 : vector<2048x8xf32>
    %sub3A_161 = arith.subf %add3A_124, %convert_element_type3A_36 : vector<2048x8xf32>
    %add3A_162 = arith.addf %add3A_121, %sub3A_161 : vector<2048x8xf32>
    %add3A_163 = vector.broadcast %mul3A_152 : vector<1x8xf32> to vector<2048x8xf32>
    %add3A_164 = arith.addf %add3A_163, %add3A_160 : vector<2048x8xf32>
    %mul3A_165 = arith.mulf %convert_element_type3A_16, %add3A_164 : vector<2048x8xf32>
    %reduce_sum3A_166 = arith.constant dense<0.000000e+00> : vector<2048xf32>
    %reduce_sum3A_167 = vector.multi_reduction <add>, %mul3A_165, %reduce_sum3A_166 [1] : vector<2048x8xf32> to vector<2048xf32>
    %broadcast_in_dim3A_168 = vector.shape_cast %reduce_sum3A_167 : vector<2048xf32> to vector<2048x1xf32>
    %add3A_169 = vector.broadcast %mul3A_152 : vector<1x8xf32> to vector<2048x8xf32>
    %add3A_170 = arith.addf %add3A_169, %add3A_162 : vector<2048x8xf32>
    %mul3A_171 = arith.mulf %convert_element_type3A_36, %add3A_170 : vector<2048x8xf32>
    %reduce_sum3A_172 = arith.constant dense<0.000000e+00> : vector<2048xf32>
    %reduce_sum3A_173 = vector.multi_reduction <add>, %mul3A_171, %reduce_sum3A_172 [1] : vector<2048x8xf32> to vector<2048xf32>
    %broadcast_in_dim3A_174 = vector.shape_cast %reduce_sum3A_173 : vector<2048xf32> to vector<2048x1xf32>
    %convert_element_type3A_175 = arith.fptosi %broadcast_in_dim3A_168 : vector<2048x1xf32> to vector<2048x1xi32>
    %swap3A_176 = arith.constant 0 : index
    %swap3A_177 = arith.constant 0 : index
    %swap3A_178 = vector.load %arg1[%swap3A_176, %swap3A_177] : memref<2048x1xi32, #tpu.memory_space<vmem>>, vector<2048x1xi32>
    tpu.vector_store %arg1[%swap3A_176, %swap3A_177], %convert_element_type3A_175 {strides = array<i32>} : memref<2048x1xi32, #tpu.memory_space<vmem>>, vector<2048x1xi32>,
    %convert_element_type3A_179 = arith.fptosi %broadcast_in_dim3A_174 : vector<2048x1xf32> to vector<2048x1xi32>
    %swap3A_180 = arith.constant 0 : index
    %swap3A_181 = arith.constant 0 : index
    %swap3A_182 = vector.load %arg2[%swap3A_180, %swap3A_181] : memref<2048x1xi32, #tpu.memory_space<vmem>>, vector<2048x1xi32>
    tpu.vector_store %arg2[%swap3A_180, %swap3A_181], %convert_element_type3A_179 {strides = array<i32>} : memref<2048x1xi32, #tpu.memory_space<vmem>>, vector<2048x1xi32>,
    %iota3A_183 = tpu.iota {dimensions = array<i32: 0>} : vector<24x8xi32>
    %convert_element_type3A_184 = arith.sitofp %iota3A_183 : vector<24x8xi32> to vector<24x8xf32>
    %ge3A = vector.broadcast %sub3A_150 : vector<1x8xf32> to vector<24x8xf32>
    %ge3A_185 = arith.cmpf oge, %convert_element_type3A_184, %ge3A : vector<24x8xf32>
    %add3A_186 = arith.addf %sub3A_150, %floor3A : vector<1x8xf32>
    %lt3A = vector.broadcast %add3A_186 : vector<1x8xf32> to vector<24x8xf32>
    %lt3A_187 = arith.cmpf olt, %convert_element_type3A_184, %lt3A : vector<24x8xf32>
    %and3A = arith.andi %ge3A_185, %lt3A_187 : vector<24x8xi1>
    %convert_element_type3A_188 = arith.extui %and3A : vector<24x8xi1> to vector<24x8xi32>
    %convert_element_type3A_189 = arith.sitofp %convert_element_type3A_188 : vector<24x8xi32> to vector<24x8xf32>
    %iota3A_190 = tpu.iota {dimensions = array<i32: 1>} : vector<24x8xi32>
    %convert_element_type3A_191 = arith.sitofp %iota3A_190 : vector<24x8xi32> to vector<24x8xf32>
    %mul3A_192 = arith.mulf %convert_element_type3A_189, %convert_element_type3A_191 : vector<24x8xf32>
    %reduce_sum3A_193 = arith.constant dense<0.000000e+00> : vector<24xf32>
    %reduce_sum3A_194 = vector.multi_reduction <add>, %mul3A_192, %reduce_sum3A_193 [1] : vector<24x8xf32> to vector<24xf32>
    %broadcast_in_dim3A_195 = vector.shape_cast %reduce_sum3A_194 : vector<24xf32> to vector<24x1xf32>
    %reduce_max3A_196 = vector.shape_cast %broadcast_in_dim3A_195 : vector<24x1xf32> to vector<1x24x1xf32>
    %reduce_max3A_197 = arith.constant dense<0xFF800000> : vector<1xf32>
    %reduce_max3A_198 = vector.multi_reduction <maximumf>, %reduce_max3A_196, %reduce_max3A_197 [1, 2] : vector<1x24x1xf32> to vector<1xf32>
    %reduce_max3A_199 = vector.shape_cast %reduce_max3A_198 : vector<1xf32> to vector<1x1x1xf32>
    %reduce_max3A_200 = vector.extract %reduce_max3A_199[0, 0, 0] : f32 from vector<1x1x1xf32>
    %iota3A_201 = tpu.iota {dimensions = array<i32: 0>} : vector<24x1xi32>
    %convert_element_type3A_202 = arith.sitofp %iota3A_201 : vector<24x1xi32> to vector<24x1xf32>
    %lt3A_203 = vector.broadcast %reduce_sum3A_157 : f32 to vector<24x1xf32>
    %lt3A_204 = arith.cmpf olt, %convert_element_type3A_202, %lt3A_203 : vector<24x1xf32>
    %broadcast_in_dim3A_205 = vector.broadcast %reduce_max3A_200 : f32 to vector<24x1xf32>
    %select_n3A_206 = arith.select %lt3A_204, %broadcast_in_dim3A_195, %broadcast_in_dim3A_205 : vector<24x1xi1>, vector<24x1xf32>
    %convert_element_type3A_207 = arith.fptosi %select_n3A_206 : vector<24x1xf32> to vector<24x1xi32>
    %swap3A_208 = arith.constant 0 : index
    %swap3A_209 = arith.constant 0 : index
    %swap3A_210 = vector.load %arg4[%swap3A_208, %swap3A_209] : memref<24x1xi32, #tpu.memory_space<vmem>>, vector<24x1xi32>
    tpu.vector_store %arg4[%swap3A_208, %swap3A_209], %convert_element_type3A_207 {strides = array<i32>} : memref<24x1xi32, #tpu.memory_space<vmem>>, vector<24x1xi32>,
    %broadcast_in_dim3A_211 = vector.broadcast %reduce_sum3A_157 : f32 to vector<1x1xf32>
    %convert_element_type3A_212 = arith.fptosi %broadcast_in_dim3A_211 : vector<1x1xf32> to vector<1x1xi32>
    %swap3A_213 = arith.constant 0 : index
    %swap3A_214 = arith.constant 0 : index
    %swap3A_215 = vector.load %arg5[%swap3A_213, %swap3A_214] : memref<1x1xi32, #tpu.memory_space<vmem>>, vector<1x1xi32>
    tpu.vector_store %arg5[%swap3A_213, %swap3A_214], %convert_element_type3A_212 {strides = array<i32>} : memref<1x1xi32, #tpu.memory_space<vmem>>, vector<1x1xi32>,
    return
  }
}

module attributes {stable_mosaic.version = 14 : i64} {
  func.func @_ffn_body(%arg0: i32, %arg1: memref<24xi32, #tpu.memory_space<smem>>, %arg2: memref<1xi32, #tpu.memory_space<smem>>, %arg3: memref<256x768xf32, #tpu.memory_space<vmem>>, %arg4: memref<1x768x2048xf32, #tpu.memory_space<vmem>>, %arg5: memref<1x1x2048xf32, #tpu.memory_space<vmem>>, %arg6: memref<1x2048x768xf32, #tpu.memory_space<vmem>>, %arg7: memref<1x1x768xf32, #tpu.memory_space<vmem>>, %arg8: memref<256x768xf32, #tpu.memory_space<vmem>>) attributes {dimension_semantics = [#tpu.dimension_semantics<arbitrary>], iteration_bounds = array<i64: 24>, scalar_prefetch = 2 : i64, scratch_operands = 0 : i64, tpu.core_type = #tpu.core_type<tc>, window_params = [{transform_indices = @transform_0, window_bounds = array<i64: 256, 768>}, {transform_indices = @transform_1, window_bounds = array<i64: 1, 768, 2048>}, {transform_indices = @transform_2, window_bounds = array<i64: 1, 1, 2048>}, {transform_indices = @transform_3, window_bounds = array<i64: 1, 2048, 768>}, {transform_indices = @transform_4, window_bounds = array<i64: 1, 1, 768>}, {transform_indices = @transform_5, window_bounds = array<i64: 256, 768>}]} {
    %get3A = arith.constant 0 : index
    %get3A_0 = memref.load %arg2[%get3A] : memref<1xi32, #tpu.memory_space<smem>>
    %lt3A = arith.cmpi slt, %arg0, %get3A_0 : i32
    %convert_element_type3A = arith.extui %lt3A : i1 to i32
    %cond3A = arith.constant 0 : i32
    %cond3A_1 = arith.cmpi ne, %convert_element_type3A, %cond3A : i32
    scf.if %cond3A_1 {
      %get3A_2 = arith.constant 0 : index
      %get3A_3 = arith.constant 0 : index
      %get3A_4 = vector.load %arg3[%get3A_2, %get3A_3] : memref<256x768xf32, #tpu.memory_space<vmem>>, vector<256x768xf32>
      %get3A_5 = arith.constant 0 : index
      %get3A_6 = arith.constant 0 : index
      %get3A_7 = arith.constant 0 : index
      %get3A_8 = vector.load %arg4[%get3A_5, %get3A_6, %get3A_7] : memref<1x768x2048xf32, #tpu.memory_space<vmem>>, vector<1x768x2048xf32>
      %get3A_9 = vector.shape_cast %get3A_8 : vector<1x768x2048xf32> to vector<768x2048xf32>
      %dot_general3A = arith.constant dense<0.000000e+00> : vector<256x2048xf32>
      %dot_general3A_10 = tpu.matmul %get3A_4, %get3A_9, %dot_general3A {dimension_numbers = #tpu.dot_dimension_numbers<[1], [0], [0], [1], [0, 0, 1, 1], [], []>, transpose_lhs_hint = false} : vector<256x768xf32>, vector<768x2048xf32>, vector<256x2048xf32> -> vector<256x2048xf32>
      %get3A_11 = arith.constant 0 : index
      %get3A_12 = arith.constant 0 : index
      %get3A_13 = arith.constant 0 : index
      %get3A_14 = vector.load %arg5[%get3A_11, %get3A_12, %get3A_13] : memref<1x1x2048xf32, #tpu.memory_space<vmem>>, vector<1x1x2048xf32>
      %get3A_15 = vector.shape_cast %get3A_14 : vector<1x1x2048xf32> to vector<1x2048xf32>
      %add3A = vector.broadcast %get3A_15 : vector<1x2048xf32> to vector<256x2048xf32>
      %add3A_16 = arith.addf %dot_general3A_10, %add3A : vector<256x2048xf32>
      %max3A = arith.constant 0.000000e+00 : f32
      %max3A_17 = vector.broadcast %max3A : f32 to vector<256x2048xf32>
      %max3A_18 = arith.maximumf %add3A_16, %max3A_17 : vector<256x2048xf32>
      %get3A_19 = arith.constant 0 : index
      %get3A_20 = arith.constant 0 : index
      %get3A_21 = arith.constant 0 : index
      %get3A_22 = vector.load %arg6[%get3A_19, %get3A_20, %get3A_21] : memref<1x2048x768xf32, #tpu.memory_space<vmem>>, vector<1x2048x768xf32>
      %get3A_23 = vector.shape_cast %get3A_22 : vector<1x2048x768xf32> to vector<2048x768xf32>
      %dot_general3A_24 = arith.constant dense<0.000000e+00> : vector<256x768xf32>
      %dot_general3A_25 = tpu.matmul %max3A_18, %get3A_23, %dot_general3A_24 {dimension_numbers = #tpu.dot_dimension_numbers<[1], [0], [0], [1], [0, 0, 1, 1], [], []>, transpose_lhs_hint = false} : vector<256x2048xf32>, vector<2048x768xf32>, vector<256x768xf32> -> vector<256x768xf32>
      %get3A_26 = arith.constant 0 : index
      %get3A_27 = arith.constant 0 : index
      %get3A_28 = arith.constant 0 : index
      %get3A_29 = vector.load %arg7[%get3A_26, %get3A_27, %get3A_28] : memref<1x1x768xf32, #tpu.memory_space<vmem>>, vector<1x1x768xf32>
      %get3A_30 = vector.shape_cast %get3A_29 : vector<1x1x768xf32> to vector<1x768xf32>
      %add3A_31 = vector.broadcast %get3A_30 : vector<1x768xf32> to vector<256x768xf32>
      %add3A_32 = arith.addf %dot_general3A_25, %add3A_31 : vector<256x768xf32>
      %swap3A = arith.constant 0 : index
      %swap3A_33 = arith.constant 0 : index
      %swap3A_34 = vector.load %arg8[%swap3A, %swap3A_33] : memref<256x768xf32, #tpu.memory_space<vmem>>, vector<256x768xf32>
      tpu.vector_store %arg8[%swap3A, %swap3A_33], %add3A_32 {strides = array<i32>} : memref<256x768xf32, #tpu.memory_space<vmem>>, vector<256x768xf32>,
    } else {
    }
    return
  }
  func.func @transform_0(%arg0: i32, %arg1: memref<24xi32, #tpu.memory_space<smem>>, %arg2: memref<1xi32, #tpu.memory_space<smem>>) -> (i32, i32) {
    %get3A = arith.constant 0 : index
    %get3A_0 = memref.load %arg2[%get3A] : memref<1xi32, #tpu.memory_space<smem>>
    %sub3A = arith.constant 1 : i32
    %sub3A_1 = arith.subi %get3A_0, %sub3A : i32
    %min3A = arith.minsi %arg0, %sub3A_1 : i32
    %c0_i32 = arith.constant 0 : i32
    %c0_i32_2 = arith.constant 0 : i32
    return %min3A, %c0_i32 : i32, i32
  }
  func.func @transform_1(%arg0: i32, %arg1: memref<24xi32, #tpu.memory_space<smem>>, %arg2: memref<1xi32, #tpu.memory_space<smem>>) -> (i32, i32, i32) {
    %get3A = arith.index_cast %arg0 : i32 to index
    %get3A_0 = memref.load %arg1[%get3A] : memref<24xi32, #tpu.memory_space<smem>>
    %c0_i32 = arith.constant 0 : i32
    %c0_i32_1 = arith.constant 0 : i32
    %c0_i32_2 = arith.constant 0 : i32
    return %get3A_0, %c0_i32, %c0_i32_1 : i32, i32, i32
  }
  func.func @transform_2(%arg0: i32, %arg1: memref<24xi32, #tpu.memory_space<smem>>, %arg2: memref<1xi32, #tpu.memory_space<smem>>) -> (i32, i32, i32) {
    %get3A = arith.index_cast %arg0 : i32 to index
    %get3A_0 = memref.load %arg1[%get3A] : memref<24xi32, #tpu.memory_space<smem>>
    %c0_i32 = arith.constant 0 : i32
    %c0_i32_1 = arith.constant 0 : i32
    %c0_i32_2 = arith.constant 0 : i32
    return %get3A_0, %c0_i32, %c0_i32_1 : i32, i32, i32
  }
  func.func @transform_3(%arg0: i32, %arg1: memref<24xi32, #tpu.memory_space<smem>>, %arg2: memref<1xi32, #tpu.memory_space<smem>>) -> (i32, i32, i32) {
    %get3A = arith.index_cast %arg0 : i32 to index
    %get3A_0 = memref.load %arg1[%get3A] : memref<24xi32, #tpu.memory_space<smem>>
    %c0_i32 = arith.constant 0 : i32
    %c0_i32_1 = arith.constant 0 : i32
    %c0_i32_2 = arith.constant 0 : i32
    return %get3A_0, %c0_i32, %c0_i32_1 : i32, i32, i32
  }
  func.func @transform_4(%arg0: i32, %arg1: memref<24xi32, #tpu.memory_space<smem>>, %arg2: memref<1xi32, #tpu.memory_space<smem>>) -> (i32, i32, i32) {
    %get3A = arith.index_cast %arg0 : i32 to index
    %get3A_0 = memref.load %arg1[%get3A] : memref<24xi32, #tpu.memory_space<smem>>
    %c0_i32 = arith.constant 0 : i32
    %c0_i32_1 = arith.constant 0 : i32
    %c0_i32_2 = arith.constant 0 : i32
    return %get3A_0, %c0_i32, %c0_i32_1 : i32, i32, i32
  }
  func.func @transform_5(%arg0: i32, %arg1: memref<24xi32, #tpu.memory_space<smem>>, %arg2: memref<1xi32, #tpu.memory_space<smem>>) -> (i32, i32) {
    %get3A = arith.constant 0 : index
    %get3A_0 = memref.load %arg2[%get3A] : memref<1xi32, #tpu.memory_space<smem>>
    %sub3A = arith.constant 1 : i32
    %sub3A_1 = arith.subi %get3A_0, %sub3A : i32
    %min3A = arith.minsi %arg0, %sub3A_1 : i32
    %c0_i32 = arith.constant 0 : i32
    %c0_i32_2 = arith.constant 0 : i32
    return %min3A, %c0_i32 : i32, i32
  }
}

module attributes {stable_mosaic.version = 14 : i64} {
  func.func @_comb_body(%arg0: i32, %arg1: memref<256x768xf32, #tpu.memory_space<vmem>>, %arg2: memref<256x768xf32, #tpu.memory_space<vmem>>, %arg3: memref<256x768xf32, #tpu.memory_space<vmem>>, %arg4: memref<256x2xf32, #tpu.memory_space<vmem>>, %arg5: memref<1x768xf32, #tpu.memory_space<vmem>>, %arg6: memref<1x768xf32, #tpu.memory_space<vmem>>, %arg7: memref<256x768xf32, #tpu.memory_space<vmem>>) attributes {dimension_semantics = [#tpu.dimension_semantics<arbitrary>], iteration_bounds = array<i64: 8>, scalar_prefetch = 0 : i64, scratch_operands = 0 : i64, tpu.core_type = #tpu.core_type<tc>, window_params = [{transform_indices = @transform_0, window_bounds = array<i64: 256, 768>}, {transform_indices = @transform_1, window_bounds = array<i64: 256, 768>}, {transform_indices = @transform_2, window_bounds = array<i64: 256, 768>}, {transform_indices = @transform_3, window_bounds = array<i64: 256, 2>}, {pipeline_mode = #tpu.pipeline_mode<synchronous>, transform_indices = @transform_4, window_bounds = array<i64: 1, 768>}, {pipeline_mode = #tpu.pipeline_mode<synchronous>, transform_indices = @transform_5, window_bounds = array<i64: 1, 768>}, {transform_indices = @transform_6, window_bounds = array<i64: 256, 768>}]} {
    %get3A = arith.constant 0 : index
    %get3A_0 = arith.constant 0 : index
    %get3A_1 = vector.load %arg4[%get3A, %get3A_0] : memref<256x2xf32, #tpu.memory_space<vmem>>, vector<256x2xf32>
    %slice3A = vector.extract_strided_slice %get3A_1 {offsets = [0, 0], sizes = [256, 1], strides = [1, 1]} : vector<256x2xf32> to vector<256x1xf32>
    %get3A_2 = arith.constant 0 : index
    %get3A_3 = arith.constant 0 : index
    %get3A_4 = vector.load %arg2[%get3A_2, %get3A_3] : memref<256x768xf32, #tpu.memory_space<vmem>>, vector<256x768xf32>
    %mul3A = vector.broadcast %slice3A : vector<256x1xf32> to vector<256x768xf32>
    %mul3A_5 = arith.mulf %mul3A, %get3A_4 : vector<256x768xf32>
    %slice3A_6 = vector.extract_strided_slice %get3A_1 {offsets = [0, 1], sizes = [256, 1], strides = [1, 1]} : vector<256x2xf32> to vector<256x1xf32>
    %get3A_7 = arith.constant 0 : index
    %get3A_8 = arith.constant 0 : index
    %get3A_9 = vector.load %arg3[%get3A_7, %get3A_8] : memref<256x768xf32, #tpu.memory_space<vmem>>, vector<256x768xf32>
    %mul3A_10 = vector.broadcast %slice3A_6 : vector<256x1xf32> to vector<256x768xf32>
    %mul3A_11 = arith.mulf %mul3A_10, %get3A_9 : vector<256x768xf32>
    %add3A = arith.addf %mul3A_5, %mul3A_11 : vector<256x768xf32>
    %get3A_12 = arith.constant 0 : index
    %get3A_13 = arith.constant 0 : index
    %get3A_14 = vector.load %arg1[%get3A_12, %get3A_13] : memref<256x768xf32, #tpu.memory_space<vmem>>, vector<256x768xf32>
    %add3A_15 = arith.addf %get3A_14, %add3A : vector<256x768xf32>
    %get3A_16 = arith.constant 0 : index
    %get3A_17 = arith.constant 0 : index
    %get3A_18 = vector.load %arg5[%get3A_16, %get3A_17] : memref<1x768xf32, #tpu.memory_space<vmem>>, vector<1x768xf32>
    %get3A_19 = arith.constant 0 : index
    %get3A_20 = arith.constant 0 : index
    %get3A_21 = vector.load %arg6[%get3A_19, %get3A_20] : memref<1x768xf32, #tpu.memory_space<vmem>>, vector<1x768xf32>
    %reduce_sum3A = arith.constant dense<0.000000e+00> : vector<256xf32>
    %reduce_sum3A_22 = vector.multi_reduction <add>, %add3A_15, %reduce_sum3A [1] : vector<256x768xf32> to vector<256xf32>
    %broadcast_in_dim3A = vector.shape_cast %reduce_sum3A_22 : vector<256xf32> to vector<256x1xf32>
    %div3A = arith.constant 7.680000e+02 : f32
    %div3A_23 = vector.broadcast %div3A : f32 to vector<256x1xf32>
    %div3A_24 = arith.divf %broadcast_in_dim3A, %div3A_23 : vector<256x1xf32>
    %sub3A = vector.broadcast %div3A_24 : vector<256x1xf32> to vector<256x768xf32>
    %sub3A_25 = arith.subf %add3A_15, %sub3A : vector<256x768xf32>
    %integer_pow3A = arith.mulf %sub3A_25, %sub3A_25 : vector<256x768xf32>
    %reduce_sum3A_26 = arith.constant dense<0.000000e+00> : vector<256xf32>
    %reduce_sum3A_27 = vector.multi_reduction <add>, %integer_pow3A, %reduce_sum3A_26 [1] : vector<256x768xf32> to vector<256xf32>
    %broadcast_in_dim3A_28 = vector.shape_cast %reduce_sum3A_27 : vector<256xf32> to vector<256x1xf32>
    %div3A_29 = arith.constant 7.680000e+02 : f32
    %div3A_30 = vector.broadcast %div3A_29 : f32 to vector<256x1xf32>
    %div3A_31 = arith.divf %broadcast_in_dim3A_28, %div3A_30 : vector<256x1xf32>
    %sub3A_32 = vector.broadcast %div3A_24 : vector<256x1xf32> to vector<256x768xf32>
    %sub3A_33 = arith.subf %add3A_15, %sub3A_32 : vector<256x768xf32>
    %add3A_34 = arith.constant 9.99999974E-6 : f32
    %add3A_35 = vector.broadcast %add3A_34 : f32 to vector<256x1xf32>
    %add3A_36 = arith.addf %div3A_31, %add3A_35 : vector<256x1xf32>
    %rsqrt3A = math.rsqrt %add3A_36 : vector<256x1xf32>
    %mul3A_37 = vector.broadcast %rsqrt3A : vector<256x1xf32> to vector<256x768xf32>
    %mul3A_38 = arith.mulf %sub3A_33, %mul3A_37 : vector<256x768xf32>
    %mul3A_39 = vector.broadcast %get3A_18 : vector<1x768xf32> to vector<256x768xf32>
    %mul3A_40 = arith.mulf %mul3A_38, %mul3A_39 : vector<256x768xf32>
    %add3A_41 = vector.broadcast %get3A_21 : vector<1x768xf32> to vector<256x768xf32>
    %add3A_42 = arith.addf %mul3A_40, %add3A_41 : vector<256x768xf32>
    %swap3A = arith.constant 0 : index
    %swap3A_43 = arith.constant 0 : index
    %swap3A_44 = vector.load %arg7[%swap3A, %swap3A_43] : memref<256x768xf32, #tpu.memory_space<vmem>>, vector<256x768xf32>
    tpu.vector_store %arg7[%swap3A, %swap3A_43], %add3A_42 {strides = array<i32>} : memref<256x768xf32, #tpu.memory_space<vmem>>, vector<256x768xf32>,
    return
  }
  func.func @transform_0(%arg0: i32) -> (i32, i32) {
    %c0_i32 = arith.constant 0 : i32
    %c0_i32_0 = arith.constant 0 : i32
    return %arg0, %c0_i32 : i32, i32
  }
  func.func @transform_1(%arg0: i32) -> (i32, i32) {
    %c0_i32 = arith.constant 0 : i32
    %c0_i32_0 = arith.constant 0 : i32
    return %arg0, %c0_i32 : i32, i32
  }
  func.func @transform_2(%arg0: i32) -> (i32, i32) {
    %c0_i32 = arith.constant 0 : i32
    %c0_i32_0 = arith.constant 0 : i32
    return %arg0, %c0_i32 : i32, i32
  }
  func.func @transform_3(%arg0: i32) -> (i32, i32) {
    %c0_i32 = arith.constant 0 : i32
    %c0_i32_0 = arith.constant 0 : i32
    return %arg0, %c0_i32 : i32, i32
  }
  func.func @transform_4(%arg0: i32) -> (i32, i32) {
    %c0_i32 = arith.constant 0 : i32
    %c0_i32_0 = arith.constant 0 : i32
    %c0_i32_1 = arith.constant 0 : i32
    return %c0_i32, %c0_i32_0 : i32, i32
  }
  func.func @transform_5(%arg0: i32) -> (i32, i32) {
    %c0_i32 = arith.constant 0 : i32
    %c0_i32_0 = arith.constant 0 : i32
    %c0_i32_1 = arith.constant 0 : i32
    return %c0_i32, %c0_i32_0 : i32, i32
  }
  func.func @transform_6(%arg0: i32) -> (i32, i32) {
    %c0_i32 = arith.constant 0 : i32
    %c0_i32_0 = arith.constant 0 : i32
    return %arg0, %c0_i32 : i32, i32
  }
}

</mosaic_0001>

<sc_bundles>
// kernel: kernel.10.cloned.1.call-start
scs
__scs_entry_jumppad:
0x0: {  	(pc) =	sbr.rel $0x88, $3  }
0x1: {  	(tag) =	ssettag $0x0;
	lr =	simm.s32 $0x1  }
0x2: {  	[smem:$0x3F8C] =	sst lr;
	_ =	strace $0xD0000000  }
0x3: {  	_ = 	snop  }
0x4: {  	_ = 	snop  }
0x5: {  	_ = 	snop  }
0x6: {  	_ = 	snop  }
0x7: {  	_ = 	snop  }
__scs_overlays_trampoline_lowered:
0x8: {  	[smem:$0x3F9B] =	sst s0  }
0x9: {  	[smem:$0x3F9C] =	sst s1  }
0xa: {  	[smem:$0x3F9D] =	sst s2  }
0xb: {  	[smem:$0x3F9E] =	sst s3  }
0xc: {  	[smem:$0x3F9F] =	sst s4  }
0xd: {  	[smem:$0x3FA0] =	sst s5  }
0xe: {  	[smem:$0x3FA1] =	sst s6  }
0xf: {  	[smem:$0x3FA2] =	sst s7  }
0x10: {  	[smem:$0x3FA3] =	sst s8  }
0x11: {  	[smem:$0x3FA4] =	sst s9;
	s0 =	simm.s32 @!p0 $0x0  }
0x12: {  	s1 =	sld [smem:$0x3F8A];
	s0 =	simm.s32 @p0 $0x1  }
0x13: {  	[smem:$0x3FA5] =	sst s0;
	s0 =	simm.s32 @!p1 $0x0  }
0x14: {  	s2 =	sld [smem:$0x3F89];
	s0 =	simm.s32 @p1 $0x1  }
0x15: {  	[smem:$0x3FA6] =	sst s0;
	s0 =	simm.s32 @!p2 $0x0  }
0x16: {  	s3 =	sld [smem:$0x3FDB];
	s0 =	simm.s32 @p2 $0x1  }
0x17: {  	s4 =	simm.s32 $0x1BF5;
	[smem:$0x3FA8] =	sst s0  }
0x18: {  	s0 =	sld [smem:$0x3F8B];
	_ =	swait.ge [sflag:s4], $0x0  }
0x19: {  	s7 =	sld [smem:$0x3F8C]  }
0x1a: {  	s8 =	sadd.s32 $0xFFFFE003, lr  }
0x1b: {  	s9 =	sadd.s32 $0xFFFFFEF7, lr;
	s5 =	simm.s32 $0xFFFFFFFF;
	p2 =	slt.u32 s8, $0xFFFFF086  }
0x1c: {  	p1 =	slt.u32 s9, $0xF7A;
	s5 =	simm.s32 @!p2 $0x0  }
0x1d: {  	s5 =	simm.s32 @p1 $0x1;
	p0 =	seq.s32 s7, s2  }
0x1e: {  	s7 =	smul.u32 @!p0 $0xF7A, s2;
	p2 =	seq.s32 @!p0 s5, $0x0  }
0x1f: {  	s9 =	smul.u32 $0xF7A, s1;
	s8 =	simm.s32 @!p0 $0x1BF5;
	p2 =	por !p2, p0  }
0x20: {  	[sflag:s8] =	ssyncset.s32 @!p0 $0xFFFFF086;
	s6 =	sadd.s32 @!p0 s3, s7;
	s7 =	simm.s32 @!p0 $0x108  }
0x21: {  	s3 =	sadd.s32 s3, s9;
	s6 =	sadd.s32 @!p0 $0x88, s6;
	s7 =	simm.s32 @p2 $0x1082  }
0x22: {  	[simem:s7], [sflag:s8] =	dma.local @!p0 [hbm:s6], $0xF7A  }
0x23: {  	s9 =	sor.u32 $0xD0000000, s2;
	s6 =	simm.s32 $0x108;
	_ =	swait.ge @!p0 [sflag:s8], $0x0  }
0x24: {  	s3 =	sadd.s32 $0x88, s3;
	s6 =	simm.s32 @!p1 $0x1082;
	[sflag:s4] =	ssyncset.s32 $0xFFFFF086  }
0x25: {  	[simem:s6], [sflag:s4] =	dma.local [hbm:s3], $0xF7A  }
0x26: {  	[smem:$0x3F8C] =	sst s1;
	(tag) =	ssettag s2;
	_ =	strace s9  }
0x27: {  	s1 =	sld [smem:$0x3F9C]  }
0x28: {  	s2 =	sld [smem:$0x3F9D]  }
0x29: {  	s4 =	sld [smem:$0x3F9F]  }
0x2a: {  	p0 =	seq.s32 s5, $0x0;
	s5 =	sld [smem:$0x3FA0]  }
0x2b: {  	s6 =	sld [smem:$0x3FA1]  }
0x2c: {  	s7 =	sld [smem:$0x3FA2]  }
0x2d: {  	s3 =	simm.s32 $0x108;
	s8 =	sld [smem:$0x3FA3]  }
0x2e: {  	s3 =	simm.s32 @!p0 $0x1082;
	s9 =	sld [smem:$0x3FA4]  }
0x2f: {  	lr =	sadd.s32 s0, s3;
	s0 =	sld [smem:$0x3F9B]  }
0x30: {  	s3 =	sld [smem:$0x3F9E]  }
0x31: {  	[smem:$0x3FA7] =	sst s10  }
0x32: {  	s10 =	sld [smem:$0x3FA5];
	_ =	sdelay $0x3  }
0x33: {  	p0 =	seq.s32 s10, $0x1;
	s10 =	sld [smem:$0x3FA7];
	_ =	sdelay $0x3  }
0x34: {  	[smem:$0x3FA7] =	sst s10  }
0x35: {  	s10 =	sld [smem:$0x3FA6];
	_ =	sdelay $0x3  }
0x36: {  	p1 =	seq.s32 s10, $0x1;
	s10 =	sld [smem:$0x3FA7];
	_ =	sdelay $0x3  }
0x37: {  	[smem:$0x3FA7] =	sst s10  }
0x38: {  	s10 =	sld [smem:$0x3FA8]  }
0x39: {  	_ = 	snop;
	(pc) =	sbr.ind lr, $3  }
0x3a: {  	_ = 	snop  }
0x3b: {  	_ = 	snop  }
0x3c: {  	p2 =	seq.s32 s10, $0x1;
	s10 =	sld [smem:$0x3FA7]  }
0x3d: {  	_ =	shalt  }
0x3e: {  	_ =	shalt  }
0x3f: {  	_ =	shalt  }
0x40: {  	_ =	shalt  }
0x41: {  	_ =	shalt  }
0x42: {  	_ =	shalt  }
0x43: {  	_ =	shalt  }
0x44: {  	_ =	shalt  }
0x45: {  	_ =	shalt  }
0x46: {  	_ =	shalt  }
0x47: {  	_ =	shalt  }
0x48: {  	_ =	shalt  }
0x49: {  	_ =	shalt  }
0x4a: {  	_ =	shalt  }
0x4b: {  	_ =	shalt  }
0x4c: {  	_ =	shalt  }
0x4d: {  	_ =	shalt  }
0x4e: {  	_ =	shalt  }
0x4f: {  	_ =	shalt  }
0x50: {  	_ =	shalt  }
0x51: {  	_ =	shalt  }
0x52: {  	_ =	shalt  }
0x53: {  	_ =	shalt  }
0x54: {  	_ =	shalt  }
0x55: {  	_ =	shalt  }
0x56: {  	_ =	shalt  }
0x57: {  	_ =	shalt  }
0x58: {  	_ =	shalt  }
0x59: {  	_ =	shalt  }
0x5a: {  	_ =	shalt  }
0x5b: {  	_ =	shalt  }
0x5c: {  	_ =	shalt  }
0x5d: {  	_ =	shalt  }
0x5e: {  	_ =	shalt  }
0x5f: {  	_ =	shalt  }
0x60: {  	_ =	shalt  }
0x61: {  	_ =	shalt  }
0x62: {  	_ =	shalt  }
0x63: {  	_ =	shalt  }
0x64: {  	_ =	shalt  }
0x65: {  	_ =	shalt  }
0x66: {  	_ =	shalt  }
0x67: {  	_ =	shalt  }
0x68: {  	_ =	shalt  }
0x69: {  	_ =	shalt  }
0x6a: {  	_ =	shalt  }
0x6b: {  	_ =	shalt  }
0x6c: {  	_ =	shalt  }
0x6d: {  	_ =	shalt  }
0x6e: {  	_ =	shalt  }
0x6f: {  	_ =	shalt  }
0x70: {  	_ =	shalt  }
0x71: {  	_ =	shalt  }
0x72: {  	_ =	shalt  }
0x73: {  	_ =	shalt  }
0x74: {  	_ =	shalt  }
0x75: {  	_ =	shalt  }
0x76: {  	_ =	shalt  }
0x77: {  	_ =	shalt  }
0x78: {  	_ =	shalt  }
0x79: {  	_ =	shalt  }
0x7a: {  	_ =	shalt  }
0x7b: {  	_ =	shalt  }
0x7c: {  	_ =	shalt  }
0x7d: {  	_ =	shalt  }
0x7e: {  	_ =	shalt  }
0x7f: {  	_ =	shalt  }
0x80: {  	_ =	shalt  }
0x81: {  	_ =	shalt  }
0x82: {  	_ =	shalt  }
0x83: {  	_ =	shalt  }
0x84: {  	_ =	shalt  }
0x85: {  	_ =	shalt  }
0x86: {  	_ =	shalt  }
0x87: {  	_ =	shalt  }
.Lfunc_end0:
.L_simem_size_0:
called_computation_lowered:
.L_overlay_start_0:
0x88: {  	s2 =	sld [smem:$0x3FD9]  }
0x89: {  	s3 =	sld [smem:$0x3FFE];
	_ =	sdelay $0x1  }
0x8a: {  	s1 =	srdreg.scid  }
0x8b: {  	s0 =	sand.u32 $0x1, s1  }
0x8c: {  	s17 =	sshll.u32 s0, $0xA;
	s2 =	sadd.s32 s3, s2  }
0x8d: {  	s2 =	sadd.s32 s2, s17  }
0x8e: {  	[smem:$0x3FB3] =	sst s2  }
0x8f: {  	_ = 	snop  }
0x90: {  	s2 =	sld [smem:$0x3FD0];
	(tm) =	ssettm $0x1  }
0x91: {  	s18 =	sld [smem:$0x3FFB];
	_ =	sdelay $0x3  }
0x92: {  	_ =	strace s18  }
0x93: {  	s3 =	sld [smem:$0x3FFC];
	_ =	sdelay $0x3  }
0x94: {  	_ =	strace s3  }
0x95: {  	s3 =	sld [smem:$0x3FFD];
	_ =	sdelay $0x3  }
0x96: {  	_ =	strace s3  }
0x97: {  	_ =	strace $0x8FFFFFFF  }
0x98: {  	s19 =	sld [smem:$0x3FDB];
	_ =	sdelay $0x1  }
0x99: {  	s4 =	simm.s32 $_scs_section_size  }
0x9a: {  	s5 =	simm.s32 $_size__tile_overlayer_lowered;
	s6 =	simm.s32 $_tile_overlayer_lowered  }
0x9b: {  	s22 =	simm.s32 $0x1BFF;
	s21 =	sshll.u32 s6, $0x1;
	s3 =	sadd.s32 s4, s19  }
0x9c: {  	s7 =	simm.s32 $0x0;
	s20 =	sshll.u32 s5, $0x1;
	s5 =	sadd.s32 s21, s3  }
0x9d: {  	[timem:s7], [sflag:s22] =	dma.local [hbm:s5], s20  }
0x9e: {  	_ =	swait.ge [sflag:s22], s20  }
0x9f: {  	s4 =	ssub.s32 $0x0, s20;
	[sflag:s22] =	ssyncset.done $0x0  }
0xa0: {  	[sflag:s22] =	ssyncadd.s32 s4;
	_ =	sdelay $0x1  }
0xa1: {  	s23 =	simm.s32 $0x1B8B  }
0xa2: {  	_ =	swait.ge [sflag:s23], $0x1  }
0xa3: {  	[sflag:s23] =	ssyncset.done $0x0  }
0xa4: {  	s25 =	simm.s32 $0x1B8E;
	s24 =	sld [smem:$0x3FFE];
	[sflag:s23] =	ssyncadd.s32 $0xFFFFFFFF  }
0xa5: {  	s26 =	simm.s32 $execute0_lowered;
	[smem:$0x3FD2] =	sst s25  }
0xa6: {  	s5 =	sshll.u32 s26, $0x1;
	_ =	strace $0x80000046;
	[dreg:$0x1] =	wrdreg $0xFFFFFFFF  }
0xa7: {  	s28 =	simm.s32 $_size_execute0_lowered;
	s3 =	sadd.s32 s3, s5;
	[dreg:$0x0] =	wrdreg $0x0  }
0xa8: {  	s5 =	sshll.u32 s28, $0x1;
	[dreg:$0x2] =	wrdreg s3  }
0xa9: {  	[dreg:$0x3] =	wrdreg s5  }
0xaa: {  	[dreg:$0x4] =	wrdreg $0xC0  }
0xab: {  	_ =	task [dreg:s7], $0x5FFFF  }
0xac: {  	[dreg:$0x1] =	wrdreg $0xFFFFFFFF  }
0xad: {  	[dreg:$0x0] =	wrdreg $0x60  }
0xae: {  	[dreg:$0x2] =	wrdreg s2  }
0xaf: {  	[dreg:$0x3] =	wrdreg s24  }
0xb0: {  	[dreg:$0x4] =	wrdreg $0x9  }
0xb1: {  	_ =	task.clear_ibuf [dreg:s7], $0x5FFFF;
	_ =	strace $0x90000046  }
0xb2: {  	s29 =	simm.s32 $0x9;
	_ =	strace $0x80000048  }
0xb3: {  	_ =	swait.ge [sflag:s29], $0x1  }
0xb4: {  	[sflag:s29] =	ssyncadd.s32 $0xFFFFFFFF  }
0xb5: {  	_ =	strace $0x90000048  }
0xb6: {  	_ =	sfence  }
0xb7: {  	s30 =	sld [smem:$0x0];
	_ =	sdelay $0x2  }
0xb8: {  	s31 =	sshll.u32 s1, $0xD;
	s1 =	sshrl.u32 s1, $0x2  }
0xb9: {  	s3 =	sand.u32 $0x4000, s31;
	s1 =	sadd.s32 s1, s30  }
0xba: {  	s0 =	sor.u32 s3, s0;
	s1 =	sshll.u32 s1, $0x11  }
0xbb: {  	s0 =	sor.u32 s1, s0  }
0xbc: {  	s0 =	sadd.s32 $0x8F2B, s0  }
0xbd: {  	[sflag:s0] =	ssyncadd.remote.s32 $0x1  }
0xbe: {  	_ =	sfence.sel $0xFFFF  }
0xbf: {  	[dreg:$0x0] =	wrdreg $0xFFFFFFFF;
	(pc) =	sbr.abs _section_cstart, $3  }
0xc0: {  	[dreg:$0x1] =	wrdreg $0xFFFFFFFF  }
0xc1: {  	_ =	task.clear_ibuf [dreg:s7], $0x2FFFF;
	_ =	strace $0x9FFFFFFF  }
0xc2: {  	(tm) =	ssettm $0x7FFFFFFF  }
0xc3: {  	_ =	shalt  }
tec
execute0_lowered:
.L_overlay_start_1:
0x0: {  	(tag) =	ssettag $0x1  }
0x1: {  	s0 =	srdreg.scid;
	s1 =	rddreg [dreg:$0x0]  }
0x2: {  	s2 =	stileid.u32;
	s5 =	rddreg [dreg:$0x1]  }
0x3: {  	s8 =	simm.s32 $0x2;
	s10 =	simm.s32 $0x880;
	s11 =	simm.s32 $0x1080  }
0x4: {  	s12 =	simm.s32 $0x1880;
	s13 =	simm.s32 $0x2080;
	s14 =	simm.s32 $0x2880  }
0x5: {  	s15 =	simm.s32 $0x3080;
	s16 =	simm.s32 $0x3880;
	s17 =	simm.s32 $0x4080  }
0x6: {  	s18 =	simm.s32 $0x4880;
	s19 =	simm.s32 $0x5080;
	s20 =	simm.s32 $0x5880  }
0x7: {  	s21 =	simm.s32 $0x6080;
	s22 =	simm.s32 $0x6880;
	s23 =	simm.s32 $0x7080  }
0x8: {  	s28 =	simm.s32 $0x9080;
	s29 =	simm.s32 $0x9880;
	s30 =	simm.s32 $0xA080  }
0x9: {  	s0 =	sand.u32 $0x1, s0;
	s3 =	sshll.u32 s2, $0x4;
	s2 =	simm.s32 $0x0  }
0xa: {  	s31 =	simm.s32 $0xA880;
	s4 =	sshll.u32 s0, $0x3;
	[smem:$0x7FF] =	sst s2  }
0xb: {  	s0 =	ssub.s32 $0x2, s0;
	s3 =	sor.u32 s4, s3;
	_ =	strace $0x80000047  }
0xc: {  	s24 =	sshrl.u32 s0, $0x1;
	s4 =	smul.u32 $0x300, s3;
	s6 =	sadd.s32 s3, s5  }
0xd: {  	s3 =	sadd.s32 $0x3A00, s5;
	s0 =	ssub.s32 s0, s24;
	s24 =	simm.s32 $0x7880  }
0xe: {  	s25 =	sadd.s32 $0x3600, s6;
	s26 =	sadd.s32 $0x3800, s6;
	s6 =	smax.u32 s0, $0x1  }
0xf: {  	v2 =	vlaneseq.u32;
	s1 =	sadd.s32 s1, s4;
	[dreg:$0x4] =	wrdreg s25;
	s4 =	sadd.s32 $0x3B00, s5  }
0x10: {  	vm0 =	vmmov $0xffff;
	v1 =	vshrl.u32 v2, $0x3;
	s5 =	sadd.s32 $0x3C00, s5;
	[dreg:$0x5] =	wrdreg s26;
	s25 =	simm.s32 $0x8080  }
0x11: {  	v0 =	vand.u32 $0x7, v2;
	v2 =	vor.u32 $0x8, v2;
	v1 =	vmul.u32 $0x8, v1;
	s26 =	simm.s32 $0x8880;
	[dreg:$0x3] =	wrdreg s1;
	s1 =	simm.s32 $0x1  }
.LBB2_1:
0x12: {  	s9 =	rddreg [dreg:$0x3];
	s0 =	simm.s32 $0x80  }
0x13: {  	[tilespmem:s0], [sflag:$0x2] =	stream.linear.gather [hbm4b:s9+s2], $0xC000, $0x38;
	[tilespmem:$0xC080] =	vst v63  }
0x14: {  	_ =	swait.ge [sflag:s8], $0xC000  }
0x15: {  	[sflag:s8] =	ssyncset.done $0x0  }
0x16: {  	s7 =	rddreg [dreg:$0x4];
	[sflag:s8] =	ssyncadd.s32 $0xFFFF4000  }
0x17: {  	[tilespmem:s2], [sflag:$0x2] =	stream.linear.gather [hbm4b:s7+s2], $0x40, $0x38;
	[tilespmem:$0xC080] =	vst v63  }
0x18: {  	_ =	swait.ge [sflag:s8], $0x40  }
0x19: {  	[sflag:s8] =	ssyncset.done $0x0  }
0x1a: {  	[sflag:s8] =	ssyncadd.s32 $0xFFFFFFC0  }
0x1b: {  	v3 =	vld [tilespmem:$0x0];
	_ =	sdelay $0x4  }
0x1c: {  	v4 =	vshrl.u32 v3, $0x3  }
0x1d: {  	v4 =	vmul.u32 $0x30, v4  }
0x1e: {  	v3 =	vand.u32 $0x7, v3  }
0x1f: {  	v3 =	vor.u32 v3, v4  }
0x20: {  	v4 =	vperm.xlane v3, v0;
	_ =	sdelay $0x1  }
0x21: {  	v4 =	vadd.s32 v1, v4;
	_ =	sdelay $0x3  }
0x22: {  	v3 =	vperm.xlane v3, v2  }
0x23: {  	[hbm4b:s3+s2] =	stream.indirect_vreg.scatter [tilespmem:s0], [sflag:$0x1], $0x80, v4, vm0, $0xb8;
	[tilespmem:$0xC080] =	vst v63  }
0x24: {  	v3 =	vadd.s32 v1, v3  }
0x25: {  	[hbm4b:s4+s2] =	stream.indirect_vreg.scatter [tilespmem:s10], [sflag:$0x1], $0x80, v4, vm0, $0xb8;
	[tilespmem:$0xC080] =	vst v63  }
0x26: {  	_ = 	snop  }
0x27: {  	[hbm4b:s5+s2] =	stream.indirect_vreg.scatter [tilespmem:s11], [sflag:$0x1], $0x80, v4, vm0, $0xb8;
	[tilespmem:$0xC080] =	vst v63  }
0x28: {  	_ = 	snop  }
0x29: {  	[hbm4b:s3+s2] =	stream.indirect_vreg.scatter [tilespmem:s12], [sflag:$0x1], $0x80, v3, vm0, $0xb8;
	[tilespmem:$0xC080] =	vst v63  }
0x2a: {  	_ = 	snop  }
0x2b: {  	[hbm4b:s4+s2] =	stream.indirect_vreg.scatter [tilespmem:s13], [sflag:$0x1], $0x80, v3, vm0, $0xb8;
	[tilespmem:$0xC080] =	vst v63  }
0x2c: {  	_ = 	snop  }
0x2d: {  	[hbm4b:s5+s2] =	stream.indirect_vreg.scatter [tilespmem:s14], [sflag:$0x1], $0x80, v3, vm0, $0xb8;
	[tilespmem:$0xC080] =	vst v63  }
0x2e: {  	v3 =	vld [tilespmem:$0x10];
	_ =	sdelay $0x4  }
0x2f: {  	v57 =	vshrl.u32 v3, $0x3  }
0x30: {  	v4 =	vmul.u32 $0x30, v57  }
0x31: {  	v3 =	vand.u32 $0x7, v3  }
0x32: {  	v3 =	vor.u32 v3, v4  }
0x33: {  	v4 =	vperm.xlane v3, v0;
	_ =	sdelay $0x1  }
0x34: {  	v4 =	vadd.s32 v1, v4;
	_ =	sdelay $0x3  }
0x35: {  	v3 =	vperm.xlane v3, v2  }
0x36: {  	[hbm4b:s3+s2] =	stream.indirect_vreg.scatter [tilespmem:s15], [sflag:$0x1], $0x80, v4, vm0, $0xb8;
	[tilespmem:$0xC080] =	vst v63  }
0x37: {  	v3 =	vadd.s32 v1, v3  }
0x38: {  	[hbm4b:s4+s2] =	stream.indirect_vreg.scatter [tilespmem:s16], [sflag:$0x1], $0x80, v4, vm0, $0xb8;
	[tilespmem:$0xC080] =	vst v63  }
0x39: {  	_ = 	snop  }
0x3a: {  	[hbm4b:s5+s2] =	stream.indirect_vreg.scatter [tilespmem:s17], [sflag:$0x1], $0x80, v4, vm0, $0xb8;
	[tilespmem:$0xC080] =	vst v63  }
0x3b: {  	_ = 	snop  }
0x3c: {  	[hbm4b:s3+s2] =	stream.indirect_vreg.scatter [tilespmem:s18], [sflag:$0x1], $0x80, v3, vm0, $0xb8;
	[tilespmem:$0xC080] =	vst v63  }
0x3d: {  	_ = 	snop  }
0x3e: {  	[hbm4b:s4+s2] =	stream.indirect_vreg.scatter [tilespmem:s19], [sflag:$0x1], $0x80, v3, vm0, $0xb8;
	[tilespmem:$0xC080] =	vst v63  }
0x3f: {  	_ = 	snop  }
0x40: {  	[hbm4b:s5+s2] =	stream.indirect_vreg.scatter [tilespmem:s20], [sflag:$0x1], $0x80, v3, vm0, $0xb8;
	[tilespmem:$0xC080] =	vst v63  }
0x41: {  	v3 =	vld [tilespmem:$0x20];
	_ =	sdelay $0x4  }
0x42: {  	v58 =	vshrl.u32 v3, $0x3  }
0x43: {  	v4 =	vmul.u32 $0x30, v58  }
0x44: {  	v3 =	vand.u32 $0x7, v3  }
0x45: {  	v3 =	vor.u32 v3, v4  }
0x46: {  	v4 =	vperm.xlane v3, v0;
	_ =	sdelay $0x1  }
0x47: {  	v4 =	vadd.s32 v1, v4;
	_ =	sdelay $0x3  }
0x48: {  	v3 =	vperm.xlane v3, v2  }
0x49: {  	[hbm4b:s3+s2] =	stream.indirect_vreg.scatter [tilespmem:s21], [sflag:$0x1], $0x80, v4, vm0, $0xb8;
	[tilespmem:$0xC080] =	vst v63  }
0x4a: {  	v3 =	vadd.s32 v1, v3  }
0x4b: {  	[hbm4b:s4+s2] =	stream.indirect_vreg.scatter [tilespmem:s22], [sflag:$0x1], $0x80, v4, vm0, $0xb8;
	[tilespmem:$0xC080] =	vst v63  }
0x4c: {  	_ = 	snop  }
0x4d: {  	[hbm4b:s5+s2] =	stream.indirect_vreg.scatter [tilespmem:s23], [sflag:$0x1], $0x80, v4, vm0, $0xb8;
	[tilespmem:$0xC080] =	vst v63  }
0x4e: {  	_ = 	snop  }
0x4f: {  	[hbm4b:s3+s2] =	stream.indirect_vreg.scatter [tilespmem:s24], [sflag:$0x1], $0x80, v3, vm0, $0xb8;
	[tilespmem:$0xC080] =	vst v63  }
0x50: {  	_ = 	snop  }
0x51: {  	[hbm4b:s4+s2] =	stream.indirect_vreg.scatter [tilespmem:s25], [sflag:$0x1], $0x80, v3, vm0, $0xb8;
	[tilespmem:$0xC080] =	vst v63  }
0x52: {  	_ = 	snop  }
0x53: {  	[hbm4b:s5+s2] =	stream.indirect_vreg.scatter [tilespmem:s26], [sflag:$0x1], $0x80, v3, vm0, $0xb8;
	[tilespmem:$0xC080] =	vst v63  }
0x54: {  	v3 =	vld [tilespmem:$0x30];
	_ =	sdelay $0x4  }
0x55: {  	v59 =	vshrl.u32 v3, $0x3  }
0x56: {  	v4 =	vmul.u32 $0x30, v59  }
0x57: {  	v3 =	vand.u32 $0x7, v3  }
0x58: {  	v3 =	vor.u32 v3, v4  }
0x59: {  	v4 =	vperm.xlane v3, v0;
	_ =	sdelay $0x1  }
0x5a: {  	v4 =	vadd.s32 v1, v4;
	_ =	sdelay $0x3  }
0x5b: {  	v3 =	vperm.xlane v3, v2  }
0x5c: {  	[hbm4b:s3+s2] =	stream.indirect_vreg.scatter [tilespmem:s28], [sflag:$0x1], $0x80, v4, vm0, $0xb8;
	[tilespmem:$0xC080] =	vst v63  }
0x5d: {  	v3 =	vadd.s32 v1, v3  }
0x5e: {  	[hbm4b:s4+s2] =	stream.indirect_vreg.scatter [tilespmem:s29], [sflag:$0x1], $0x80, v4, vm0, $0xb8;
	[tilespmem:$0xC080] =	vst v63  }
0x5f: {  	_ = 	snop  }
0x60: {  	[hbm4b:s5+s2] =	stream.indirect_vreg.scatter [tilespmem:s30], [sflag:$0x1], $0x80, v4, vm0, $0xb8;
	[tilespmem:$0xC080] =	vst v63  }
0x61: {  	_ = 	snop  }
0x62: {  	[hbm4b:s3+s2] =	stream.indirect_vreg.scatter [tilespmem:s31], [sflag:$0x1], $0x80, v3, vm0, $0xb8;
	[tilespmem:$0xC080] =	vst v63  }
0x63: {  	s7 =	simm.s32 $0xB080  }
0x64: {  	[hbm4b:s4+s2] =	stream.indirect_vreg.scatter [tilespmem:s7], [sflag:$0x1], $0x80, v3, vm0, $0xb8;
	[tilespmem:$0xC080] =	vst v63  }
0x65: {  	s7 =	simm.s32 $0xB880  }
0x66: {  	[hbm4b:s5+s2] =	stream.indirect_vreg.scatter [tilespmem:s7], [sflag:$0x1], $0x80, v3, vm0, $0xb8;
	[tilespmem:$0xC080] =	vst v63  }
0x67: {  	_ =	swait.ge [sflag:s1], $0xC000  }
0x68: {  	[sflag:s1] =	ssyncset.done $0x0  }
0x69: {  	s9 =	rddreg [dreg:$0x5];
	[sflag:s1] =	ssyncadd.s32 $0xFFFF4000  }
0x6a: {  	[tilespmem:s2], [sflag:$0x2] =	stream.linear.gather [hbm4b:s9+s2], $0x40, $0x38;
	[tilespmem:$0xC080] =	vst v63  }
0x6b: {  	_ =	swait.ge [sflag:s8], $0x40  }
0x6c: {  	[sflag:s8] =	ssyncset.done $0x0  }
0x6d: {  	[sflag:s8] =	ssyncadd.s32 $0xFFFFFFC0  }
0x6e: {  	v3 =	vld [tilespmem:$0x0];
	_ =	sdelay $0x4  }
0x6f: {  	v60 =	vshrl.u32 v3, $0x3  }
0x70: {  	v4 =	vmul.u32 $0x30, v60  }
0x71: {  	v3 =	vand.u32 $0x7, v3  }
0x72: {  	v3 =	vor.u32 v3, v4  }
0x73: {  	v4 =	vperm.xlane v3, v0;
	_ =	sdelay $0x1  }
0x74: {  	v4 =	vadd.s32 v1, v4;
	_ =	sdelay $0x3  }
0x75: {  	v3 =	vperm.xlane v3, v2  }
0x76: {  	[hbm4b:s3+s2] =	stream.indirect_vreg.scatter [tilespmem:s0], [sflag:$0x1], $0x80, v4, vm0, $0xb8;
	[tilespmem:$0xC080] =	vst v63  }
0x77: {  	v3 =	vadd.s32 v1, v3  }
0x78: {  	[hbm4b:s4+s2] =	stream.indirect_vreg.scatter [tilespmem:s10], [sflag:$0x1], $0x80, v4, vm0, $0xb8;
	[tilespmem:$0xC080] =	vst v63  }
0x79: {  	_ = 	snop  }
0x7a: {  	[hbm4b:s5+s2] =	stream.indirect_vreg.scatter [tilespmem:s11], [sflag:$0x1], $0x80, v4, vm0, $0xb8;
	[tilespmem:$0xC080] =	vst v63  }
0x7b: {  	_ = 	snop  }
0x7c: {  	[hbm4b:s3+s2] =	stream.indirect_vreg.scatter [tilespmem:s12], [sflag:$0x1], $0x80, v3, vm0, $0xb8;
	[tilespmem:$0xC080] =	vst v63  }
0x7d: {  	_ = 	snop  }
0x7e: {  	[hbm4b:s4+s2] =	stream.indirect_vreg.scatter [tilespmem:s13], [sflag:$0x1], $0x80, v3, vm0, $0xb8;
	[tilespmem:$0xC080] =	vst v63  }
0x7f: {  	_ = 	snop  }
0x80: {  	[hbm4b:s5+s2] =	stream.indirect_vreg.scatter [tilespmem:s14], [sflag:$0x1], $0x80, v3, vm0, $0xb8;
	[tilespmem:$0xC080] =	vst v63  }
0x81: {  	v3 =	vld [tilespmem:$0x10];
	_ =	sdelay $0x4  }
0x82: {  	v61 =	vshrl.u32 v3, $0x3  }
0x83: {  	v4 =	vmul.u32 $0x30, v61  }
0x84: {  	v3 =	vand.u32 $0x7, v3  }
0x85: {  	v3 =	vor.u32 v3, v4  }
0x86: {  	v4 =	vperm.xlane v3, v0;
	_ =	sdelay $0x1  }
0x87: {  	v4 =	vadd.s32 v1, v4;
	_ =	sdelay $0x3  }
0x88: {  	v3 =	vperm.xlane v3, v2  }
0x89: {  	[hbm4b:s3+s2] =	stream.indirect_vreg.scatter [tilespmem:s15], [sflag:$0x1], $0x80, v4, vm0, $0xb8;
	[tilespmem:$0xC080] =	vst v63  }
0x8a: {  	v3 =	vadd.s32 v1, v3  }
0x8b: {  	[hbm4b:s4+s2] =	stream.indirect_vreg.scatter [tilespmem:s16], [sflag:$0x1], $0x80, v4, vm0, $0xb8;
	[tilespmem:$0xC080] =	vst v63  }
0x8c: {  	_ = 	snop  }
0x8d: {  	[hbm4b:s5+s2] =	stream.indirect_vreg.scatter [tilespmem:s17], [sflag:$0x1], $0x80, v4, vm0, $0xb8;
	[tilespmem:$0xC080] =	vst v63  }
0x8e: {  	_ = 	snop  }
0x8f: {  	[hbm4b:s3+s2] =	stream.indirect_vreg.scatter [tilespmem:s18], [sflag:$0x1], $0x80, v3, vm0, $0xb8;
	[tilespmem:$0xC080] =	vst v63  }
0x90: {  	_ = 	snop  }
0x91: {  	[hbm4b:s4+s2] =	stream.indirect_vreg.scatter [tilespmem:s19], [sflag:$0x1], $0x80, v3, vm0, $0xb8;
	[tilespmem:$0xC080] =	vst v63  }
0x92: {  	_ = 	snop  }
0x93: {  	[hbm4b:s5+s2] =	stream.indirect_vreg.scatter [tilespmem:s20], [sflag:$0x1], $0x80, v3, vm0, $0xb8;
	[tilespmem:$0xC080] =	vst v63  }
0x94: {  	v3 =	vld [tilespmem:$0x20];
	_ =	sdelay $0x4  }
0x95: {  	v62 =	vshrl.u32 v3, $0x3  }
0x96: {  	v4 =	vmul.u32 $0x30, v62  }
0x97: {  	v3 =	vand.u32 $0x7, v3  }
0x98: {  	v3 =	vor.u32 v3, v4  }
0x99: {  	v4 =	vperm.xlane v3, v0;
	_ =	sdelay $0x1  }
0x9a: {  	v4 =	vadd.s32 v1, v4;
	_ =	sdelay $0x3  }
0x9b: {  	v3 =	vperm.xlane v3, v2  }
0x9c: {  	[hbm4b:s3+s2] =	stream.indirect_vreg.scatter [tilespmem:s21], [sflag:$0x1], $0x80, v4, vm0, $0xb8;
	[tilespmem:$0xC080] =	vst v63  }
0x9d: {  	v3 =	vadd.s32 v1, v3  }
0x9e: {  	[hbm4b:s4+s2] =	stream.indirect_vreg.scatter [tilespmem:s22], [sflag:$0x1], $0x80, v4, vm0, $0xb8;
	[tilespmem:$0xC080] =	vst v63  }
0x9f: {  	_ = 	snop  }
0xa0: {  	[hbm4b:s5+s2] =	stream.indirect_vreg.scatter [tilespmem:s23], [sflag:$0x1], $0x80, v4, vm0, $0xb8;
	[tilespmem:$0xC080] =	vst v63  }
0xa1: {  	_ = 	snop  }
0xa2: {  	[hbm4b:s3+s2] =	stream.indirect_vreg.scatter [tilespmem:s24], [sflag:$0x1], $0x80, v3, vm0, $0xb8;
	[tilespmem:$0xC080] =	vst v63  }
0xa3: {  	_ = 	snop  }
0xa4: {  	[hbm4b:s4+s2] =	stream.indirect_vreg.scatter [tilespmem:s25], [sflag:$0x1], $0x80, v3, vm0, $0xb8;
	[tilespmem:$0xC080] =	vst v63  }
0xa5: {  	_ = 	snop  }
0xa6: {  	[hbm4b:s5+s2] =	stream.indirect_vreg.scatter [tilespmem:s26], [sflag:$0x1], $0x80, v3, vm0, $0xb8;
	[tilespmem:$0xC080] =	vst v63  }
0xa7: {  	v3 =	vld [tilespmem:$0x30];
	_ =	sdelay $0x4  }
0xa8: {  	v63 =	vshrl.u32 v3, $0x3  }
0xa9: {  	v4 =	vmul.u32 $0x30, v63  }
0xaa: {  	v3 =	vand.u32 $0x7, v3  }
0xab: {  	v3 =	vor.u32 v3, v4  }
0xac: {  	v4 =	vperm.xlane v3, v0;
	_ =	sdelay $0x1  }
0xad: {  	v4 =	vadd.s32 v1, v4;
	_ =	sdelay $0x3  }
0xae: {  	v3 =	vperm.xlane v3, v2  }
0xaf: {  	[hbm4b:s3+s2] =	stream.indirect_vreg.scatter [tilespmem:s28], [sflag:$0x1], $0x80, v4, vm0, $0xb8;
	[tilespmem:$0xC080] =	vst v63  }
0xb0: {  	v3 =	vadd.s32 v1, v3  }
0xb1: {  	[hbm4b:s4+s2] =	stream.indirect_vreg.scatter [tilespmem:s29], [sflag:$0x1], $0x80, v4, vm0, $0xb8;
	[tilespmem:$0xC080] =	vst v63  }
0xb2: {  	_ = 	snop  }
0xb3: {  	[hbm4b:s5+s2] =	stream.indirect_vreg.scatter [tilespmem:s30], [sflag:$0x1], $0x80, v4, vm0, $0xb8;
	[tilespmem:$0xC080] =	vst v63  }
0xb4: {  	_ = 	snop  }
0xb5: {  	[hbm4b:s3+s2] =	stream.indirect_vreg.scatter [tilespmem:s31], [sflag:$0x1], $0x80, v3, vm0, $0xb8;
	[tilespmem:$0xC080] =	vst v63  }
0xb6: {  	p0 =	sne.s32 s6, $0x1;
	s9 =	simm.s32 $0xB080  }
0xb7: {  	[hbm4b:s4+s2] =	stream.indirect_vreg.scatter [tilespmem:s9], [sflag:$0x1], $0x80, v3, vm0, $0xb8;
	[tilespmem:$0xC080] =	vst v63  }
.Ltmp0:
0xb8: {  	_ = 	snop;
	(pc) =	sbr.rel @p0 .LBB2_1-.Ltmp0, $4  }
0xb9: {  	[hbm4b:s5+s2] =	stream.indirect_vreg.scatter [tilespmem:s7], [sflag:$0x1], $0x80, v3, vm0, $0xb8;
	[tilespmem:$0xC080] =	vst v63  }
0xba: {  	_ =	swait.ge [sflag:s1], $0xC000  }
0xbb: {  	[sflag:s1] =	ssyncset.done $0x0  }
0xbc: {  	s6 =	sadd.s32 $0xFFFFFFFF, s6;
	[sflag:s1] =	ssyncadd.s32 $0xFFFF4000  }
0xbd: {  	_ =	sfence.sel $0x180000  }
0xbe: {  	[bflag:$0x0] =	sbarrier.arrive $0xFFFF  }
0xbf: {  	_ =	strace $0x90000047  }
0xc0: {  	s0 =	stileid.u32;
	[bflag:$0x2] =	sbarrier.arrive $0xFFFF  }
0xc1: {  	p0 =	sne.s32 s0, $0x0;
	s0 =	rddreg [dreg:$0x2]  }
0xc2: {  	s0 =	sadd.s32 @!p0 $0x100000, s0  }
0xc3: {  	[sflag:s0] =	ssyncadd.tile.s32 @!p0 $0x1;
	_ =	shalt  }
.Lfunc_end2:
_tile_overlayer_lowered:
.L_overlay_start_2:
0xc4: {  	(tag) =	ssettag $0x2  }
0xc5: {  	s0 =	rddreg [dreg:$0x0];
	s2 =	stileid.u32  }
0xc6: {  	s1 =	rddreg [dreg:$0x1];
	p0 =	sne.s32 s2, $0x0  }
0xc7: {  	s3 =	rddreg [dreg:$0x2];
	[bflag:$0x3] =	sbarrier.arrive $0xFFFF;
	s2 =	simm.s32 @!p0 $0x1C02  }
0xc8: {  	[timem:s3], [sflag:s2] =	dma.local @!p0 [hbm:s0], s1  }
0xc9: {  	s0 =	simm.s32 @!p0 $0x2  }
0xca: {  	_ =	swait.ge @!p0 [sflag:s0], s1  }
0xcb: {  	s1 =	ssub.s32 @!p0 $0x0, s1;
	[sflag:s0] =	ssyncset.done @!p0 $0x0  }
0xcc: {  	[sflag:s0] =	ssyncadd.s32 @!p0 s1  }
0xcd: {  	[bflag:$0x3] =	sbarrier.arrive $0xFFFF  }
0xce: {  	_ =	shalt  }

// kernel: kernel.13.cloned.1.call-start
scs
__scs_entry_jumppad:
0x0: {  	(pc) =	sbr.rel $0x88, $3  }
0x1: {  	(tag) =	ssettag $0x0;
	lr =	simm.s32 $0x1  }
0x2: {  	[smem:$0x3F8C] =	sst lr;
	_ =	strace $0xD0000000  }
0x3: {  	_ = 	snop  }
0x4: {  	_ = 	snop  }
0x5: {  	_ = 	snop  }
0x6: {  	_ = 	snop  }
0x7: {  	_ = 	snop  }
__scs_overlays_trampoline_lowered:
0x8: {  	[smem:$0x3F9B] =	sst s0  }
0x9: {  	[smem:$0x3F9C] =	sst s1  }
0xa: {  	[smem:$0x3F9D] =	sst s2  }
0xb: {  	[smem:$0x3F9E] =	sst s3  }
0xc: {  	[smem:$0x3F9F] =	sst s4  }
0xd: {  	[smem:$0x3FA0] =	sst s5  }
0xe: {  	[smem:$0x3FA1] =	sst s6  }
0xf: {  	[smem:$0x3FA2] =	sst s7  }
0x10: {  	[smem:$0x3FA3] =	sst s8  }
0x11: {  	[smem:$0x3FA4] =	sst s9;
	s0 =	simm.s32 @!p0 $0x0  }
0x12: {  	s1 =	sld [smem:$0x3F8A];
	s0 =	simm.s32 @p0 $0x1  }
0x13: {  	[smem:$0x3FA5] =	sst s0;
	s0 =	simm.s32 @!p1 $0x0  }
0x14: {  	s2 =	sld [smem:$0x3F89];
	s0 =	simm.s32 @p1 $0x1  }
0x15: {  	[smem:$0x3FA6] =	sst s0;
	s0 =	simm.s32 @!p2 $0x0  }
0x16: {  	s3 =	sld [smem:$0x3FDB];
	s0 =	simm.s32 @p2 $0x1  }
0x17: {  	s4 =	simm.s32 $0x1BF5;
	[smem:$0x3FA8] =	sst s0  }
0x18: {  	s0 =	sld [smem:$0x3F8B];
	_ =	swait.ge [sflag:s4], $0x0  }
0x19: {  	s7 =	sld [smem:$0x3F8C]  }
0x1a: {  	s8 =	sadd.s32 $0xFFFFE003, lr  }
0x1b: {  	s9 =	sadd.s32 $0xFFFFFEF7, lr;
	s5 =	simm.s32 $0xFFFFFFFF;
	p2 =	slt.u32 s8, $0xFFFFF086  }
0x1c: {  	p1 =	slt.u32 s9, $0xF7A;
	s5 =	simm.s32 @!p2 $0x0  }
0x1d: {  	s5 =	simm.s32 @p1 $0x1;
	p0 =	seq.s32 s7, s2  }
0x1e: {  	s7 =	smul.u32 @!p0 $0xF7A, s2;
	p2 =	seq.s32 @!p0 s5, $0x0  }
0x1f: {  	s9 =	smul.u32 $0xF7A, s1;
	s8 =	simm.s32 @!p0 $0x1BF5;
	p2 =	por !p2, p0  }
0x20: {  	[sflag:s8] =	ssyncset.s32 @!p0 $0xFFFFF086;
	s6 =	sadd.s32 @!p0 s3, s7;
	s7 =	simm.s32 @!p0 $0x108  }
0x21: {  	s3 =	sadd.s32 s3, s9;
	s6 =	sadd.s32 @!p0 $0x88, s6;
	s7 =	simm.s32 @p2 $0x1082  }
0x22: {  	[simem:s7], [sflag:s8] =	dma.local @!p0 [hbm:s6], $0xF7A  }
0x23: {  	s9 =	sor.u32 $0xD0000000, s2;
	s6 =	simm.s32 $0x108;
	_ =	swait.ge @!p0 [sflag:s8], $0x0  }
0x24: {  	s3 =	sadd.s32 $0x88, s3;
	s6 =	simm.s32 @!p1 $0x1082;
	[sflag:s4] =	ssyncset.s32 $0xFFFFF086  }
0x25: {  	[simem:s6], [sflag:s4] =	dma.local [hbm:s3], $0xF7A  }
0x26: {  	[smem:$0x3F8C] =	sst s1;
	(tag) =	ssettag s2;
	_ =	strace s9  }
0x27: {  	s1 =	sld [smem:$0x3F9C]  }
0x28: {  	s2 =	sld [smem:$0x3F9D]  }
0x29: {  	s4 =	sld [smem:$0x3F9F]  }
0x2a: {  	p0 =	seq.s32 s5, $0x0;
	s5 =	sld [smem:$0x3FA0]  }
0x2b: {  	s6 =	sld [smem:$0x3FA1]  }
0x2c: {  	s7 =	sld [smem:$0x3FA2]  }
0x2d: {  	s3 =	simm.s32 $0x108;
	s8 =	sld [smem:$0x3FA3]  }
0x2e: {  	s3 =	simm.s32 @!p0 $0x1082;
	s9 =	sld [smem:$0x3FA4]  }
0x2f: {  	lr =	sadd.s32 s0, s3;
	s0 =	sld [smem:$0x3F9B]  }
0x30: {  	s3 =	sld [smem:$0x3F9E]  }
0x31: {  	[smem:$0x3FA7] =	sst s10  }
0x32: {  	s10 =	sld [smem:$0x3FA5];
	_ =	sdelay $0x3  }
0x33: {  	p0 =	seq.s32 s10, $0x1;
	s10 =	sld [smem:$0x3FA7];
	_ =	sdelay $0x3  }
0x34: {  	[smem:$0x3FA7] =	sst s10  }
0x35: {  	s10 =	sld [smem:$0x3FA6];
	_ =	sdelay $0x3  }
0x36: {  	p1 =	seq.s32 s10, $0x1;
	s10 =	sld [smem:$0x3FA7];
	_ =	sdelay $0x3  }
0x37: {  	[smem:$0x3FA7] =	sst s10  }
0x38: {  	s10 =	sld [smem:$0x3FA8]  }
0x39: {  	_ = 	snop;
	(pc) =	sbr.ind lr, $3  }
0x3a: {  	_ = 	snop  }
0x3b: {  	_ = 	snop  }
0x3c: {  	p2 =	seq.s32 s10, $0x1;
	s10 =	sld [smem:$0x3FA7]  }
0x3d: {  	_ =	shalt  }
0x3e: {  	_ =	shalt  }
0x3f: {  	_ =	shalt  }
0x40: {  	_ =	shalt  }
0x41: {  	_ =	shalt  }
0x42: {  	_ =	shalt  }
0x43: {  	_ =	shalt  }
0x44: {  	_ =	shalt  }
0x45: {  	_ =	shalt  }
0x46: {  	_ =	shalt  }
0x47: {  	_ =	shalt  }
0x48: {  	_ =	shalt  }
0x49: {  	_ =	shalt  }
0x4a: {  	_ =	shalt  }
0x4b: {  	_ =	shalt  }
0x4c: {  	_ =	shalt  }
0x4d: {  	_ =	shalt  }
0x4e: {  	_ =	shalt  }
0x4f: {  	_ =	shalt  }
0x50: {  	_ =	shalt  }
0x51: {  	_ =	shalt  }
0x52: {  	_ =	shalt  }
0x53: {  	_ =	shalt  }
0x54: {  	_ =	shalt  }
0x55: {  	_ =	shalt  }
0x56: {  	_ =	shalt  }
0x57: {  	_ =	shalt  }
0x58: {  	_ =	shalt  }
0x59: {  	_ =	shalt  }
0x5a: {  	_ =	shalt  }
0x5b: {  	_ =	shalt  }
0x5c: {  	_ =	shalt  }
0x5d: {  	_ =	shalt  }
0x5e: {  	_ =	shalt  }
0x5f: {  	_ =	shalt  }
0x60: {  	_ =	shalt  }
0x61: {  	_ =	shalt  }
0x62: {  	_ =	shalt  }
0x63: {  	_ =	shalt  }
0x64: {  	_ =	shalt  }
0x65: {  	_ =	shalt  }
0x66: {  	_ =	shalt  }
0x67: {  	_ =	shalt  }
0x68: {  	_ =	shalt  }
0x69: {  	_ =	shalt  }
0x6a: {  	_ =	shalt  }
0x6b: {  	_ =	shalt  }
0x6c: {  	_ =	shalt  }
0x6d: {  	_ =	shalt  }
0x6e: {  	_ =	shalt  }
0x6f: {  	_ =	shalt  }
0x70: {  	_ =	shalt  }
0x71: {  	_ =	shalt  }
0x72: {  	_ =	shalt  }
0x73: {  	_ =	shalt  }
0x74: {  	_ =	shalt  }
0x75: {  	_ =	shalt  }
0x76: {  	_ =	shalt  }
0x77: {  	_ =	shalt  }
0x78: {  	_ =	shalt  }
0x79: {  	_ =	shalt  }
0x7a: {  	_ =	shalt  }
0x7b: {  	_ =	shalt  }
0x7c: {  	_ =	shalt  }
0x7d: {  	_ =	shalt  }
0x7e: {  	_ =	shalt  }
0x7f: {  	_ =	shalt  }
0x80: {  	_ =	shalt  }
0x81: {  	_ =	shalt  }
0x82: {  	_ =	shalt  }
0x83: {  	_ =	shalt  }
0x84: {  	_ =	shalt  }
0x85: {  	_ =	shalt  }
0x86: {  	_ =	shalt  }
0x87: {  	_ =	shalt  }
.Lfunc_end0:
.L_simem_size_0:
called_computation.1_lowered:
.L_overlay_start_0:
0x88: {  	s2 =	sld [smem:$0x3FD9]  }
0x89: {  	s3 =	sld [smem:$0x3FFE];
	_ =	sdelay $0x1  }
0x8a: {  	s1 =	srdreg.scid  }
0x8b: {  	s0 =	sand.u32 $0x1, s1  }
0x8c: {  	s16 =	sshll.u32 s0, $0xA;
	s2 =	sadd.s32 s3, s2  }
0x8d: {  	s2 =	sadd.s32 s2, s16  }
0x8e: {  	[smem:$0x3FB3] =	sst s2  }
0x8f: {  	_ = 	snop  }
0x90: {  	(tm) =	ssettm $0x1  }
0x91: {  	s17 =	sld [smem:$0x3FFB];
	_ =	sdelay $0x3  }
0x92: {  	_ =	strace s17  }
0x93: {  	s2 =	sld [smem:$0x3FFC];
	_ =	sdelay $0x3  }
0x94: {  	_ =	strace s2  }
0x95: {  	s2 =	sld [smem:$0x3FFD];
	_ =	sdelay $0x3  }
0x96: {  	_ =	strace s2  }
0x97: {  	_ =	strace $0x8FFFFFFF  }
0x98: {  	s18 =	sld [smem:$0x3FDB];
	_ =	sdelay $0x1  }
0x99: {  	s19 =	simm.s32 $_scs_section_size  }
0x9a: {  	s4 =	simm.s32 $_size__tile_overlayer_lowered;
	s5 =	simm.s32 $_tile_overlayer_lowered  }
0x9b: {  	s22 =	simm.s32 $0x1BFF;
	s21 =	sshll.u32 s5, $0x1;
	s2 =	sadd.s32 s19, s18  }
0x9c: {  	s6 =	simm.s32 $0x0;
	s20 =	sshll.u32 s4, $0x1;
	s4 =	sadd.s32 s21, s2  }
0x9d: {  	[timem:s6], [sflag:s22] =	dma.local [hbm:s4], s20  }
0x9e: {  	_ =	swait.ge [sflag:s22], s20  }
0x9f: {  	s3 =	ssub.s32 $0x0, s20;
	[sflag:s22] =	ssyncset.done $0x0  }
0xa0: {  	[sflag:s22] =	ssyncadd.s32 s3;
	_ =	sdelay $0x1  }
0xa1: {  	s23 =	simm.s32 $0x1B8B  }
0xa2: {  	_ =	swait.ge [sflag:s23], $0x1  }
0xa3: {  	[sflag:s23] =	ssyncset.done $0x0  }
0xa4: {  	s25 =	simm.s32 $0x1B8E;
	s24 =	sld [smem:$0x3FFE];
	[sflag:s23] =	ssyncadd.s32 $0xFFFFFFFF  }
0xa5: {  	s26 =	simm.s32 $execute0_lowered;
	[smem:$0x3FD2] =	sst s25  }
0xa6: {  	s4 =	sshll.u32 s26, $0x1;
	_ =	strace $0x80000049;
	[dreg:$0x1] =	wrdreg $0xFFFFFFFF  }
0xa7: {  	s28 =	simm.s32 $_size_execute0_lowered;
	s2 =	sadd.s32 s2, s4;
	[dreg:$0x0] =	wrdreg $0x0  }
0xa8: {  	s4 =	sshll.u32 s28, $0x1;
	[dreg:$0x2] =	wrdreg s2  }
0xa9: {  	[dreg:$0x3] =	wrdreg s4  }
0xaa: {  	[dreg:$0x4] =	wrdreg $0xC0  }
0xab: {  	_ =	task [dreg:s6], $0x5FFFF  }
0xac: {  	[dreg:$0x1] =	wrdreg $0xFFFFFFFF  }
0xad: {  	[dreg:$0x0] =	wrdreg $0x60  }
0xae: {  	[dreg:$0x2] =	wrdreg s24  }
0xaf: {  	[dreg:$0x3] =	wrdreg $0x9  }
0xb0: {  	_ =	task.clear_ibuf [dreg:s6], $0x4FFFF;
	_ =	strace $0x90000049  }
0xb1: {  	s29 =	simm.s32 $0x9;
	_ =	strace $0x8000004B  }
0xb2: {  	_ =	swait.ge [sflag:s29], $0x1  }
0xb3: {  	[sflag:s29] =	ssyncadd.s32 $0xFFFFFFFF  }
0xb4: {  	_ =	strace $0x9000004B  }
0xb5: {  	_ =	sfence  }
0xb6: {  	s30 =	sld [smem:$0x0];
	_ =	sdelay $0x2  }
0xb7: {  	s31 =	sshll.u32 s1, $0xD;
	s1 =	sshrl.u32 s1, $0x2  }
0xb8: {  	s3 =	sand.u32 $0x4000, s31;
	s1 =	sadd.s32 s1, s30  }
0xb9: {  	s0 =	sor.u32 s3, s0;
	s1 =	sshll.u32 s1, $0x11  }
0xba: {  	s0 =	sor.u32 s1, s0  }
0xbb: {  	s0 =	sadd.s32 $0x8F2B, s0  }
0xbc: {  	[sflag:s0] =	ssyncadd.remote.s32 $0x1  }
0xbd: {  	_ =	sfence.sel $0xFFFF  }
0xbe: {  	[dreg:$0x0] =	wrdreg $0xFFFFFFFF;
	(pc) =	sbr.abs _section_cstart, $3  }
0xbf: {  	[dreg:$0x1] =	wrdreg $0xFFFFFFFF  }
0xc0: {  	_ =	task.clear_ibuf [dreg:s6], $0x2FFFF;
	_ =	strace $0x9FFFFFFF  }
0xc1: {  	(tm) =	ssettm $0x7FFFFFFF  }
tec
execute0_lowered:
.L_overlay_start_1:
0x0: {  	(tag) =	ssettag $0x1  }
0x1: {  	s0 =	srdreg.scid  }
0x2: {  	s2 =	stileid.u32;
	s1 =	rddreg [dreg:$0x0];
	s10 =	simm.s32 $0x880  }
0x3: {  	s11 =	simm.s32 $0x1080;
	s12 =	simm.s32 $0x1880;
	s13 =	simm.s32 $0x2080  }
0x4: {  	s14 =	simm.s32 $0x2880;
	s15 =	simm.s32 $0x3080;
	s16 =	simm.s32 $0x3880  }
0x5: {  	s17 =	simm.s32 $0x4080;
	s18 =	simm.s32 $0x4880;
	s19 =	simm.s32 $0x5080  }
0x6: {  	s20 =	simm.s32 $0x5880;
	s21 =	simm.s32 $0x6080;
	s22 =	simm.s32 $0x6880  }
0x7: {  	s23 =	simm.s32 $0x7080;
	s24 =	simm.s32 $0x7880;
	s28 =	simm.s32 $0x9080  }
0x8: {  	s29 =	simm.s32 $0x9880;
	s30 =	simm.s32 $0xA080;
	s31 =	simm.s32 $0xA880  }
0x9: {  	s0 =	sand.u32 $0x1, s0;
	s3 =	sshll.u32 s2, $0x4;
	s2 =	simm.s32 $0x0  }
0xa: {  	s4 =	sshll.u32 s0, $0x3;
	[smem:$0x7FF] =	sst s2;
	s0 =	ssub.s32 $0x2, s0  }
0xb: {  	s3 =	sor.u32 s4, s3;
	_ =	strace $0x8000004A;
	s7 =	sshrl.u32 s0, $0x1  }
0xc: {  	s4 =	smul.u32 $0x300, s3;
	s5 =	sadd.s32 s3, s1;
	s3 =	sadd.s32 $0x3A00, s1  }
0xd: {  	s0 =	ssub.s32 s0, s7;
	s7 =	simm.s32 $0x2;
	s6 =	sadd.s32 $0x3600, s5  }
0xe: {  	s5 =	sadd.s32 $0x3800, s5;
	s4 =	sadd.s32 s4, s1;
	[dreg:$0x2] =	wrdreg s6  }
0xf: {  	[dreg:$0x4] =	wrdreg s5;
	s5 =	sadd.s32 $0x3C00, s1;
	s6 =	smax.u32 s0, $0x1  }
0x10: {  	v2 =	vlaneseq.u32;
	s0 =	simm.s32 $0x1;
	s25 =	sadd.s32 $0x93A00, s4;
	s26 =	sadd.s32 $0xC3A00, s4  }
0x11: {  	vm0 =	vmmov $0xffff;
	v1 =	vshrl.u32 v2, $0x3;
	s4 =	sadd.s32 $0x3B00, s1;
	s1 =	simm.s32 $0x80;
	[dreg:$0x3] =	wrdreg s25  }
0x12: {  	v0 =	vand.u32 $0x7, v2;
	v2 =	vor.u32 $0x8, v2;
	v1 =	vmul.u32 $0x8, v1;
	[dreg:$0x5] =	wrdreg s26;
	s25 =	simm.s32 $0x8080;
	s26 =	simm.s32 $0x8880  }
.LBB2_1:
0x13: {  	s9 =	rddreg [dreg:$0x2]  }
0x14: {  	[tilespmem:s2], [sflag:$0x2] =	stream.linear.gather [hbm4b:s9+s2], $0x40, $0x38;
	[tilespmem:$0xC080] =	vst v63  }
0x15: {  	_ =	swait.ge [sflag:s7], $0x40  }
0x16: {  	[sflag:s7] =	ssyncset.done $0x0  }
0x17: {  	[sflag:s7] =	ssyncadd.s32 $0xFFFFFFC0  }
0x18: {  	v3 =	vld [tilespmem:$0x0];
	_ =	sdelay $0x4  }
0x19: {  	v4 =	vshrl.u32 v3, $0x3  }
0x1a: {  	v4 =	vmul.u32 $0x30, v4  }
0x1b: {  	v3 =	vand.u32 $0x7, v3  }
0x1c: {  	v3 =	vor.u32 v3, v4  }
0x1d: {  	v4 =	vperm.xlane v3, v0;
	_ =	sdelay $0x1  }
0x1e: {  	v4 =	vadd.s32 v1, v4;
	_ =	sdelay $0x3  }
0x1f: {  	v3 =	vperm.xlane v3, v2  }
0x20: {  	[tilespmem:s1], [sflag:$0x1] =	stream.indirect_vreg.gather [hbm4b:s3+s2], $0x80, v4, vm0, $0xb8;
	[tilespmem:$0xC080] =	vst v63  }
0x21: {  	v3 =	vadd.s32 v1, v3  }
0x22: {  	[tilespmem:s10], [sflag:$0x1] =	stream.indirect_vreg.gather [hbm4b:s4+s2], $0x80, v4, vm0, $0xb8;
	[tilespmem:$0xC080] =	vst v63  }
0x23: {  	_ = 	snop  }
0x24: {  	[tilespmem:s11], [sflag:$0x1] =	stream.indirect_vreg.gather [hbm4b:s5+s2], $0x80, v4, vm0, $0xb8;
	[tilespmem:$0xC080] =	vst v63  }
0x25: {  	_ = 	snop  }
0x26: {  	[tilespmem:s12], [sflag:$0x1] =	stream.indirect_vreg.gather [hbm4b:s3+s2], $0x80, v3, vm0, $0xb8;
	[tilespmem:$0xC080] =	vst v63  }
0x27: {  	_ = 	snop  }
0x28: {  	[tilespmem:s13], [sflag:$0x1] =	stream.indirect_vreg.gather [hbm4b:s4+s2], $0x80, v3, vm0, $0xb8;
	[tilespmem:$0xC080] =	vst v63  }
0x29: {  	_ = 	snop  }
0x2a: {  	[tilespmem:s14], [sflag:$0x1] =	stream.indirect_vreg.gather [hbm4b:s5+s2], $0x80, v3, vm0, $0xb8;
	[tilespmem:$0xC080] =	vst v63  }
0x2b: {  	v3 =	vld [tilespmem:$0x10];
	_ =	sdelay $0x4  }
0x2c: {  	v57 =	vshrl.u32 v3, $0x3  }
0x2d: {  	v4 =	vmul.u32 $0x30, v57  }
0x2e: {  	v3 =	vand.u32 $0x7, v3  }
0x2f: {  	v3 =	vor.u32 v3, v4  }
0x30: {  	v4 =	vperm.xlane v3, v0;
	_ =	sdelay $0x1  }
0x31: {  	v4 =	vadd.s32 v1, v4;
	_ =	sdelay $0x3  }
0x32: {  	v3 =	vperm.xlane v3, v2  }
0x33: {  	[tilespmem:s15], [sflag:$0x1] =	stream.indirect_vreg.gather [hbm4b:s3+s2], $0x80, v4, vm0, $0xb8;
	[tilespmem:$0xC080] =	vst v63  }
0x34: {  	v3 =	vadd.s32 v1, v3  }
0x35: {  	[tilespmem:s16], [sflag:$0x1] =	stream.indirect_vreg.gather [hbm4b:s4+s2], $0x80, v4, vm0, $0xb8;
	[tilespmem:$0xC080] =	vst v63  }
0x36: {  	_ = 	snop  }
0x37: {  	[tilespmem:s17], [sflag:$0x1] =	stream.indirect_vreg.gather [hbm4b:s5+s2], $0x80, v4, vm0, $0xb8;
	[tilespmem:$0xC080] =	vst v63  }
0x38: {  	_ = 	snop  }
0x39: {  	[tilespmem:s18], [sflag:$0x1] =	stream.indirect_vreg.gather [hbm4b:s3+s2], $0x80, v3, vm0, $0xb8;
	[tilespmem:$0xC080] =	vst v63  }
0x3a: {  	_ = 	snop  }
0x3b: {  	[tilespmem:s19], [sflag:$0x1] =	stream.indirect_vreg.gather [hbm4b:s4+s2], $0x80, v3, vm0, $0xb8;
	[tilespmem:$0xC080] =	vst v63  }
0x3c: {  	_ = 	snop  }
0x3d: {  	[tilespmem:s20], [sflag:$0x1] =	stream.indirect_vreg.gather [hbm4b:s5+s2], $0x80, v3, vm0, $0xb8;
	[tilespmem:$0xC080] =	vst v63  }
0x3e: {  	v3 =	vld [tilespmem:$0x20];
	_ =	sdelay $0x4  }
0x3f: {  	v58 =	vshrl.u32 v3, $0x3  }
0x40: {  	v4 =	vmul.u32 $0x30, v58  }
0x41: {  	v3 =	vand.u32 $0x7, v3  }
0x42: {  	v3 =	vor.u32 v3, v4  }
0x43: {  	v4 =	vperm.xlane v3, v0;
	_ =	sdelay $0x1  }
0x44: {  	v4 =	vadd.s32 v1, v4;
	_ =	sdelay $0x3  }
0x45: {  	v3 =	vperm.xlane v3, v2  }
0x46: {  	[tilespmem:s21], [sflag:$0x1] =	stream.indirect_vreg.gather [hbm4b:s3+s2], $0x80, v4, vm0, $0xb8;
	[tilespmem:$0xC080] =	vst v63  }
0x47: {  	v3 =	vadd.s32 v1, v3  }
0x48: {  	[tilespmem:s22], [sflag:$0x1] =	stream.indirect_vreg.gather [hbm4b:s4+s2], $0x80, v4, vm0, $0xb8;
	[tilespmem:$0xC080] =	vst v63  }
0x49: {  	_ = 	snop  }
0x4a: {  	[tilespmem:s23], [sflag:$0x1] =	stream.indirect_vreg.gather [hbm4b:s5+s2], $0x80, v4, vm0, $0xb8;
	[tilespmem:$0xC080] =	vst v63  }
0x4b: {  	_ = 	snop  }
0x4c: {  	[tilespmem:s24], [sflag:$0x1] =	stream.indirect_vreg.gather [hbm4b:s3+s2], $0x80, v3, vm0, $0xb8;
	[tilespmem:$0xC080] =	vst v63  }
0x4d: {  	_ = 	snop  }
0x4e: {  	[tilespmem:s25], [sflag:$0x1] =	stream.indirect_vreg.gather [hbm4b:s4+s2], $0x80, v3, vm0, $0xb8;
	[tilespmem:$0xC080] =	vst v63  }
0x4f: {  	_ = 	snop  }
0x50: {  	[tilespmem:s26], [sflag:$0x1] =	stream.indirect_vreg.gather [hbm4b:s5+s2], $0x80, v3, vm0, $0xb8;
	[tilespmem:$0xC080] =	vst v63  }
0x51: {  	v3 =	vld [tilespmem:$0x30];
	_ =	sdelay $0x4  }
0x52: {  	v59 =	vshrl.u32 v3, $0x3  }
0x53: {  	v4 =	vmul.u32 $0x30, v59  }
0x54: {  	v3 =	vand.u32 $0x7, v3  }
0x55: {  	v3 =	vor.u32 v3, v4  }
0x56: {  	v4 =	vperm.xlane v3, v0;
	_ =	sdelay $0x1  }
0x57: {  	v4 =	vadd.s32 v1, v4;
	_ =	sdelay $0x3  }
0x58: {  	v3 =	vperm.xlane v3, v2  }
0x59: {  	[tilespmem:s28], [sflag:$0x1] =	stream.indirect_vreg.gather [hbm4b:s3+s2], $0x80, v4, vm0, $0xb8;
	[tilespmem:$0xC080] =	vst v63  }
0x5a: {  	v3 =	vadd.s32 v1, v3  }
0x5b: {  	[tilespmem:s29], [sflag:$0x1] =	stream.indirect_vreg.gather [hbm4b:s4+s2], $0x80, v4, vm0, $0xb8;
	[tilespmem:$0xC080] =	vst v63  }
0x5c: {  	_ = 	snop  }
0x5d: {  	[tilespmem:s30], [sflag:$0x1] =	stream.indirect_vreg.gather [hbm4b:s5+s2], $0x80, v4, vm0, $0xb8;
	[tilespmem:$0xC080] =	vst v63  }
0x5e: {  	_ = 	snop  }
0x5f: {  	[tilespmem:s31], [sflag:$0x1] =	stream.indirect_vreg.gather [hbm4b:s3+s2], $0x80, v3, vm0, $0xb8;
	[tilespmem:$0xC080] =	vst v63  }
0x60: {  	s8 =	simm.s32 $0xB080  }
0x61: {  	[tilespmem:s8], [sflag:$0x1] =	stream.indirect_vreg.gather [hbm4b:s4+s2], $0x80, v3, vm0, $0xb8;
	[tilespmem:$0xC080] =	vst v63  }
0x62: {  	s8 =	simm.s32 $0xB880  }
0x63: {  	[tilespmem:s8], [sflag:$0x1] =	stream.indirect_vreg.gather [hbm4b:s5+s2], $0x80, v3, vm0, $0xb8;
	[tilespmem:$0xC080] =	vst v63  }
0x64: {  	_ =	swait.ge [sflag:s0], $0xC000  }
0x65: {  	[sflag:s0] =	ssyncset.done $0x0  }
0x66: {  	s9 =	rddreg [dreg:$0x3];
	[sflag:s0] =	ssyncadd.s32 $0xFFFF4000  }
0x67: {  	[hbm4b:s9+s2] =	stream.linear.scatter [tilespmem:s1], [sflag:$0x2], $0xC000, $0x38;
	[tilespmem:$0xC080] =	vst v63  }
0x68: {  	_ =	swait.ge [sflag:s7], $0xC000  }
0x69: {  	[sflag:s7] =	ssyncset.done $0x0  }
0x6a: {  	s9 =	rddreg [dreg:$0x4];
	[sflag:s7] =	ssyncadd.s32 $0xFFFF4000  }
0x6b: {  	[tilespmem:s2], [sflag:$0x2] =	stream.linear.gather [hbm4b:s9+s2], $0x40, $0x38;
	[tilespmem:$0xC080] =	vst v63  }
0x6c: {  	_ =	swait.ge [sflag:s7], $0x40  }
0x6d: {  	[sflag:s7] =	ssyncset.done $0x0  }
0x6e: {  	[sflag:s7] =	ssyncadd.s32 $0xFFFFFFC0  }
0x6f: {  	v3 =	vld [tilespmem:$0x0];
	_ =	sdelay $0x4  }
0x70: {  	v60 =	vshrl.u32 v3, $0x3  }
0x71: {  	v4 =	vmul.u32 $0x30, v60  }
0x72: {  	v3 =	vand.u32 $0x7, v3  }
0x73: {  	v3 =	vor.u32 v3, v4  }
0x74: {  	v4 =	vperm.xlane v3, v0;
	_ =	sdelay $0x1  }
0x75: {  	v4 =	vadd.s32 v1, v4;
	_ =	sdelay $0x3  }
0x76: {  	v3 =	vperm.xlane v3, v2  }
0x77: {  	[tilespmem:s1], [sflag:$0x1] =	stream.indirect_vreg.gather [hbm4b:s3+s2], $0x80, v4, vm0, $0xb8;
	[tilespmem:$0xC080] =	vst v63  }
0x78: {  	v3 =	vadd.s32 v1, v3  }
0x79: {  	[tilespmem:s10], [sflag:$0x1] =	stream.indirect_vreg.gather [hbm4b:s4+s2], $0x80, v4, vm0, $0xb8;
	[tilespmem:$0xC080] =	vst v63  }
0x7a: {  	_ = 	snop  }
0x7b: {  	[tilespmem:s11], [sflag:$0x1] =	stream.indirect_vreg.gather [hbm4b:s5+s2], $0x80, v4, vm0, $0xb8;
	[tilespmem:$0xC080] =	vst v63  }
0x7c: {  	_ = 	snop  }
0x7d: {  	[tilespmem:s12], [sflag:$0x1] =	stream.indirect_vreg.gather [hbm4b:s3+s2], $0x80, v3, vm0, $0xb8;
	[tilespmem:$0xC080] =	vst v63  }
0x7e: {  	_ = 	snop  }
0x7f: {  	[tilespmem:s13], [sflag:$0x1] =	stream.indirect_vreg.gather [hbm4b:s4+s2], $0x80, v3, vm0, $0xb8;
	[tilespmem:$0xC080] =	vst v63  }
0x80: {  	_ = 	snop  }
0x81: {  	[tilespmem:s14], [sflag:$0x1] =	stream.indirect_vreg.gather [hbm4b:s5+s2], $0x80, v3, vm0, $0xb8;
	[tilespmem:$0xC080] =	vst v63  }
0x82: {  	v3 =	vld [tilespmem:$0x10];
	_ =	sdelay $0x4  }
0x83: {  	v61 =	vshrl.u32 v3, $0x3  }
0x84: {  	v4 =	vmul.u32 $0x30, v61  }
0x85: {  	v3 =	vand.u32 $0x7, v3  }
0x86: {  	v3 =	vor.u32 v3, v4  }
0x87: {  	v4 =	vperm.xlane v3, v0;
	_ =	sdelay $0x1  }
0x88: {  	v4 =	vadd.s32 v1, v4;
	_ =	sdelay $0x3  }
0x89: {  	v3 =	vperm.xlane v3, v2  }
0x8a: {  	[tilespmem:s15], [sflag:$0x1] =	stream.indirect_vreg.gather [hbm4b:s3+s2], $0x80, v4, vm0, $0xb8;
	[tilespmem:$0xC080] =	vst v63  }
0x8b: {  	v3 =	vadd.s32 v1, v3  }
0x8c: {  	[tilespmem:s16], [sflag:$0x1] =	stream.indirect_vreg.gather [hbm4b:s4+s2], $0x80, v4, vm0, $0xb8;
	[tilespmem:$0xC080] =	vst v63  }
0x8d: {  	_ = 	snop  }
0x8e: {  	[tilespmem:s17], [sflag:$0x1] =	stream.indirect_vreg.gather [hbm4b:s5+s2], $0x80, v4, vm0, $0xb8;
	[tilespmem:$0xC080] =	vst v63  }
0x8f: {  	_ = 	snop  }
0x90: {  	[tilespmem:s18], [sflag:$0x1] =	stream.indirect_vreg.gather [hbm4b:s3+s2], $0x80, v3, vm0, $0xb8;
	[tilespmem:$0xC080] =	vst v63  }
0x91: {  	_ = 	snop  }
0x92: {  	[tilespmem:s19], [sflag:$0x1] =	stream.indirect_vreg.gather [hbm4b:s4+s2], $0x80, v3, vm0, $0xb8;
	[tilespmem:$0xC080] =	vst v63  }
0x93: {  	_ = 	snop  }
0x94: {  	[tilespmem:s20], [sflag:$0x1] =	stream.indirect_vreg.gather [hbm4b:s5+s2], $0x80, v3, vm0, $0xb8;
	[tilespmem:$0xC080] =	vst v63  }
0x95: {  	v3 =	vld [tilespmem:$0x20];
	_ =	sdelay $0x4  }
0x96: {  	v62 =	vshrl.u32 v3, $0x3  }
0x97: {  	v4 =	vmul.u32 $0x30, v62  }
0x98: {  	v3 =	vand.u32 $0x7, v3  }
0x99: {  	v3 =	vor.u32 v3, v4  }
0x9a: {  	v4 =	vperm.xlane v3, v0;
	_ =	sdelay $0x1  }
0x9b: {  	v4 =	vadd.s32 v1, v4;
	_ =	sdelay $0x3  }
0x9c: {  	v3 =	vperm.xlane v3, v2  }
0x9d: {  	[tilespmem:s21], [sflag:$0x1] =	stream.indirect_vreg.gather [hbm4b:s3+s2], $0x80, v4, vm0, $0xb8;
	[tilespmem:$0xC080] =	vst v63  }
0x9e: {  	v3 =	vadd.s32 v1, v3  }
0x9f: {  	[tilespmem:s22], [sflag:$0x1] =	stream.indirect_vreg.gather [hbm4b:s4+s2], $0x80, v4, vm0, $0xb8;
	[tilespmem:$0xC080] =	vst v63  }
0xa0: {  	_ = 	snop  }
0xa1: {  	[tilespmem:s23], [sflag:$0x1] =	stream.indirect_vreg.gather [hbm4b:s5+s2], $0x80, v4, vm0, $0xb8;
	[tilespmem:$0xC080] =	vst v63  }
0xa2: {  	_ = 	snop  }
0xa3: {  	[tilespmem:s24], [sflag:$0x1] =	stream.indirect_vreg.gather [hbm4b:s3+s2], $0x80, v3, vm0, $0xb8;
	[tilespmem:$0xC080] =	vst v63  }
0xa4: {  	_ = 	snop  }
0xa5: {  	[tilespmem:s25], [sflag:$0x1] =	stream.indirect_vreg.gather [hbm4b:s4+s2], $0x80, v3, vm0, $0xb8;
	[tilespmem:$0xC080] =	vst v63  }
0xa6: {  	_ = 	snop  }
0xa7: {  	[tilespmem:s26], [sflag:$0x1] =	stream.indirect_vreg.gather [hbm4b:s5+s2], $0x80, v3, vm0, $0xb8;
	[tilespmem:$0xC080] =	vst v63  }
0xa8: {  	v3 =	vld [tilespmem:$0x30];
	_ =	sdelay $0x4  }
0xa9: {  	v63 =	vshrl.u32 v3, $0x3  }
0xaa: {  	v4 =	vmul.u32 $0x30, v63  }
0xab: {  	v3 =	vand.u32 $0x7, v3  }
0xac: {  	v3 =	vor.u32 v3, v4  }
0xad: {  	v4 =	vperm.xlane v3, v0;
	_ =	sdelay $0x1  }
0xae: {  	v4 =	vadd.s32 v1, v4;
	_ =	sdelay $0x3  }
0xaf: {  	v3 =	vperm.xlane v3, v2  }
0xb0: {  	[tilespmem:s28], [sflag:$0x1] =	stream.indirect_vreg.gather [hbm4b:s3+s2], $0x80, v4, vm0, $0xb8;
	[tilespmem:$0xC080] =	vst v63  }
0xb1: {  	v3 =	vadd.s32 v1, v3  }
0xb2: {  	[tilespmem:s29], [sflag:$0x1] =	stream.indirect_vreg.gather [hbm4b:s4+s2], $0x80, v4, vm0, $0xb8;
	[tilespmem:$0xC080] =	vst v63  }
0xb3: {  	_ = 	snop  }
0xb4: {  	[tilespmem:s30], [sflag:$0x1] =	stream.indirect_vreg.gather [hbm4b:s5+s2], $0x80, v4, vm0, $0xb8;
	[tilespmem:$0xC080] =	vst v63  }
0xb5: {  	_ = 	snop  }
0xb6: {  	[tilespmem:s31], [sflag:$0x1] =	stream.indirect_vreg.gather [hbm4b:s3+s2], $0x80, v3, vm0, $0xb8;
	[tilespmem:$0xC080] =	vst v63  }
0xb7: {  	s9 =	simm.s32 $0xB080  }
0xb8: {  	[tilespmem:s9], [sflag:$0x1] =	stream.indirect_vreg.gather [hbm4b:s4+s2], $0x80, v3, vm0, $0xb8;
	[tilespmem:$0xC080] =	vst v63  }
0xb9: {  	_ = 	snop  }
0xba: {  	[tilespmem:s8], [sflag:$0x1] =	stream.indirect_vreg.gather [hbm4b:s5+s2], $0x80, v3, vm0, $0xb8;
	[tilespmem:$0xC080] =	vst v63  }
0xbb: {  	_ =	swait.ge [sflag:s0], $0xC000  }
0xbc: {  	p0 =	sne.s32 s6, $0x1;
	[sflag:s0] =	ssyncset.done $0x0  }
.Ltmp0:
0xbd: {  	s8 =	rddreg [dreg:$0x5];
	[sflag:s0] =	ssyncadd.s32 $0xFFFF4000;
	(pc) =	sbr.rel @p0 .LBB2_1-.Ltmp0, $4  }
0xbe: {  	[hbm4b:s8+s2] =	stream.linear.scatter [tilespmem:s1], [sflag:$0x2], $0xC000, $0x38;
	[tilespmem:$0xC080] =	vst v63  }
0xbf: {  	_ =	swait.ge [sflag:s7], $0xC000  }
0xc0: {  	[sflag:s7] =	ssyncset.done $0x0  }
0xc1: {  	s6 =	sadd.s32 $0xFFFFFFFF, s6;
	[sflag:s7] =	ssyncadd.s32 $0xFFFF4000  }
0xc2: {  	_ =	sfence.sel $0x180000  }
0xc3: {  	[bflag:$0x0] =	sbarrier.arrive $0xFFFF  }
0xc4: {  	_ =	strace $0x9000004A  }
0xc5: {  	s0 =	stileid.u32;
	[bflag:$0x2] =	sbarrier.arrive $0xFFFF  }
0xc6: {  	p0 =	sne.s32 s0, $0x0;
	s0 =	rddreg [dreg:$0x1]  }
0xc7: {  	s0 =	sadd.s32 @!p0 $0x100000, s0  }
0xc8: {  	[sflag:s0] =	ssyncadd.tile.s32 @!p0 $0x1;
	_ =	shalt  }
.Lfunc_end2:
_tile_overlayer_lowered:
.L_overlay_start_2:
0xc9: {  	(tag) =	ssettag $0x2  }
0xca: {  	s0 =	rddreg [dreg:$0x0];
	s2 =	stileid.u32  }
0xcb: {  	s1 =	rddreg [dreg:$0x1];
	p0 =	sne.s32 s2, $0x0  }
0xcc: {  	s3 =	rddreg [dreg:$0x2];
	[bflag:$0x3] =	sbarrier.arrive $0xFFFF;
	s2 =	simm.s32 @!p0 $0x1C02  }
0xcd: {  	[timem:s3], [sflag:s2] =	dma.local @!p0 [hbm:s0], s1  }
0xce: {  	s0 =	simm.s32 @!p0 $0x2  }
0xcf: {  	_ =	swait.ge @!p0 [sflag:s0], s1  }
0xd0: {  	s1 =	ssub.s32 @!p0 $0x0, s1;
	[sflag:s0] =	ssyncset.done @!p0 $0x0  }
0xd1: {  	[sflag:s0] =	ssyncadd.s32 @!p0 s1  }
0xd2: {  	[bflag:$0x3] =	sbarrier.arrive $0xFFFF  }
0xd3: {  	_ =	shalt  }

</sc_bundles>
